<compile_context>
chip_gen: v7x
topology: tpu7x:2x2x1
jax: 0.10.2.dev20260603
libtpu: 0.0.44.dev20260713+nightly
codegen_flags: <defaults>
</compile_context>

<pallas_src>
import functools

import jax
import jax.numpy as jnp
from jax import lax
from jax.experimental import pallas as pl
from jax.experimental.pallas import tpu as pltpu
from jax.experimental.pallas import tpu_sc as plsc

CHUNK = 80
NC = 2
NS = 16
NW = NC * NS


def _sc_x_segment_sum(xb, ei1, n_acc):
    n, d = xb.shape
    e = ei1.shape[0] // 2
    rows_pt = n_acc // NS
    assert e % (CHUNK * NW) == 0
    cpw = e // (CHUNK * NW)
    assert cpw >= 5 and cpw % 2 == 1

    zx = jnp.zeros((rows_pt, d), jnp.float32)

    mesh = plsc.VectorSubcoreMesh(core_axis_name="c", subcore_axis_name="s")

    @functools.partial(
        pl.kernel,
        out_type=jax.ShapeDtypeStruct((NC, n_acc, d), jnp.float32),
        mesh=mesh,
        compiler_params=pltpu.CompilerParams(use_tc_tiling_on_sc=False),
        scratch_types=[
            pltpu.VMEM_SHARED((n_acc, d), jnp.float32),
            [pltpu.VMEM((CHUNK,), jnp.int32)] * 3,
            [pltpu.VMEM((CHUNK,), jnp.int32)] * 3,
            [pltpu.VMEM((CHUNK, d), jnp.float32)] * 2,
            [pltpu.SemaphoreType.DMA] * 3,
            [pltpu.SemaphoreType.DMA] * 2,
            [pltpu.SemaphoreType.DMA] * 2,
        ],
    )
    def sc_kernel(xb_hbm, ei_hbm, zx_hbm, outx_hbm,
                  accx, i_v, j_v, rows_v, ld, gt, sc):
        cid = lax.axis_index("c")
        sid = lax.axis_index("s")
        wid = sid * NC + cid

        pltpu.sync_copy(zx_hbm, accx.at[pl.ds(sid * rows_pt, rows_pt)])
        plsc.subcore_barrier()

        base = wid * cpw

        def issue_loads(k, b):
            off = (base + k) * CHUNK
            pltpu.async_copy(ei_hbm.at[pl.ds(off, CHUNK)], i_v[b], ld[b])
            pltpu.async_copy(ei_hbm.at[pl.ds(e + off, CHUNK)], j_v[b], ld[b])

        def wait_loads(b):
            pltpu.make_async_copy(ei_hbm.at[pl.ds(0, CHUNK)], i_v[b], ld[b]).wait()
            pltpu.make_async_copy(ei_hbm.at[pl.ds(0, CHUNK)], j_v[b], ld[b]).wait()

        def issue_gather(ib, rb):
            pltpu.async_copy(xb_hbm.at[j_v[ib]], rows_v[rb], gt[rb])

        def wait_gather(rb):
            pltpu.make_async_copy(xb_hbm.at[j_v[0]], rows_v[rb], gt[rb]).wait()

        def issue_scatter(ib, rb):
            pltpu.async_copy(rows_v[rb], accx.at[i_v[ib]], sc[rb], add=True)

        def wait_scatter(rb):
            pltpu.make_async_copy(rows_v[rb], accx.at[i_v[0]], sc[rb]).wait()

        def it_full(k, i3, r2):
            i3n = (i3 + 1) % 3
            i3nn = (i3 + 2) % 3
            r2n = 1 - r2
            wait_loads(i3n)
            wait_scatter(r2n)
            issue_gather(i3n, r2n)
            issue_loads(k + 2, i3nn)
            wait_gather(r2)
            issue_scatter(i3, r2)

        issue_loads(0, 0)
        issue_loads(1, 1)
        wait_loads(0)
        issue_gather(0, 0)
        wait_loads(1)
        issue_gather(1, 1)
        issue_loads(2, 2)
        wait_gather(0)
        issue_scatter(0, 0)
        wait_loads(2)
        wait_scatter(0)
        issue_gather(2, 0)
        issue_loads(3, 0)
        wait_gather(1)
        issue_scatter(1, 1)

        n6 = (cpw - 5) // 6

        def body6(t, carry):
            k0 = 2 + 6 * t
            for u in range(6):
                it_full(k0 + u, (2 + u) % 3, u % 2)
            return carry

        lax.fori_loop(0, n6, body6, 0)
        for u in range(6 * n6 + 2, cpw - 3):
            it_full(u, (u % 3), (u % 2))

        k = cpw - 3
        it_full(k, k % 3, k % 2)
        k = cpw - 2
        wait_loads((k + 1) % 3)
        wait_scatter(1 - (k % 2))
        issue_gather((k + 1) % 3, 1 - (k % 2))
        wait_gather(k % 2)
        issue_scatter(k % 3, k % 2)
        k = cpw - 1
        wait_gather(k % 2)
        issue_scatter(k % 3, k % 2)
        wait_scatter(0)
        wait_scatter(1)

        plsc.subcore_barrier()
        sl = pl.ds(sid * rows_pt, rows_pt)
        pltpu.sync_copy(accx.at[sl], outx_hbm.at[cid, sl])

    return sc_kernel(xb, ei1, zx)


def _sc_ea_segment_sum(ei1, ea_r, n_acc):
    e = ei1.shape[0] // 2
    de = ea_r.shape[2]
    rows_pt = n_acc // NS
    cpw = e // (CHUNK * NW)
    assert cpw >= 5 and cpw % 2 == 1

    zea = jnp.zeros((rows_pt, de), jnp.float32)

    mesh = plsc.VectorSubcoreMesh(core_axis_name="c", subcore_axis_name="s")

    @functools.partial(
        pl.kernel,
        out_type=jax.ShapeDtypeStruct((NC, n_acc, de), jnp.float32),
        mesh=mesh,
        compiler_params=pltpu.CompilerParams(use_tc_tiling_on_sc=False),
        scratch_types=[
            pltpu.VMEM_SHARED((n_acc, de), jnp.float32),
            [pltpu.VMEM((CHUNK,), jnp.int32)] * 3,
            [pltpu.VMEM((CHUNK, de), jnp.float32)] * 3,
            [pltpu.SemaphoreType.DMA] * 3,
            [pltpu.SemaphoreType.DMA] * 3,
        ],
    )
    def sc_kernel(ei_hbm, ea_hbm, zea_hbm, outea_hbm, accea, i_v, ea_v, ld, sc):
        cid = lax.axis_index("c")
        sid = lax.axis_index("s")
        wid = sid * NC + cid

        pltpu.sync_copy(zea_hbm, accea.at[pl.ds(sid * rows_pt, rows_pt)])
        plsc.subcore_barrier()

        base = wid * cpw

        def issue_loads(k, b):
            off = (base + k) * CHUNK
            pltpu.async_copy(ei_hbm.at[pl.ds(off, CHUNK)], i_v[b], ld[b])
            pltpu.async_copy(ea_hbm.at[base + k], ea_v[b], ld[b])

        def wait_loads(b):
            pltpu.make_async_copy(ei_hbm.at[pl.ds(0, CHUNK)], i_v[b], ld[b]).wait()
            pltpu.make_async_copy(ea_hbm.at[0], ea_v[b], ld[b]).wait()

        def issue_scatter(b):
            pltpu.async_copy(ea_v[b], accea.at[i_v[b]], sc[b], add=True)

        def wait_scatter(b):
            pltpu.make_async_copy(ea_v[b], accea.at[i_v[0]], sc[b]).wait()

        def it_full(k, b3):
            b3n = (b3 + 1) % 3
            b3nn = (b3 + 2) % 3
            wait_loads(b3)
            wait_scatter(b3nn)
            issue_scatter(b3)
            issue_loads(k + 2, b3nn)

        issue_loads(0, 0)
        issue_loads(1, 1)
        wait_loads(0)
        issue_scatter(0)
        issue_loads(2, 2)
        wait_loads(1)
        issue_scatter(1)
        wait_scatter(0)
        issue_loads(3, 0)

        n3 = (cpw - 4) // 3

        def body3(t, carry):
            k0 = 2 + 3 * t
            for u in range(3):
                it_full(k0 + u, (2 + u) % 3)
            return carry

        lax.fori_loop(0, n3, body3, 0)
        for u in range(3 * n3 + 2, cpw - 2):
            it_full(u, u % 3)

        for k in (cpw - 2, cpw - 1):
            wait_loads(k % 3)
            issue_scatter(k % 3)
        wait_scatter(0)
        wait_scatter(1)
        wait_scatter(2)

        plsc.subcore_barrier()
        sl = pl.ds(sid * rows_pt, rows_pt)
        pltpu.sync_copy(accea.at[sl], outea_hbm.at[cid, sl])

    return sc_kernel(ei1, ea_r, zea)


def _tc_dense(x, px, pea, eps, W1, b1, W2, b2, We, gamma, beta):
    n, d = x.shape
    de = We.shape[0]
    blk = 1000
    grid = n // blk

    epsv = jnp.reshape(1.0 + eps, (1, 1)).astype(jnp.float32)
    b1v = b1.reshape(1, d)
    b2v = b2.reshape(1, d)
    gammav = gamma.reshape(1, d)
    betav = beta.reshape(1, d)

    def body(x_ref, px_ref, pea_ref, eps_ref, w1_ref, b1_ref,
             w2_ref, b2_ref, we_ref, g_ref, bt_ref, o_ref):
        agg = px_ref[0] + px_ref[1]
        aea = pea_ref[0] + pea_ref[1]
        h = (eps_ref[0, 0] * x_ref[...] + agg
             + jnp.dot(aea, we_ref[...], preferred_element_type=jnp.float32))
        h = jnp.maximum(
            jnp.dot(h, w1_ref[...], preferred_element_type=jnp.float32)
            + b1_ref[...], 0.0)
        h = jnp.dot(h, w2_ref[...], preferred_element_type=jnp.float32) + b2_ref[...]
        mu = jnp.mean(h, axis=-1, keepdims=True)
        hc = h - mu
        var = jnp.mean(hc * hc, axis=-1, keepdims=True)
        o_ref[...] = hc * lax.rsqrt(var + 1e-5) * g_ref[...] + bt_ref[...]

    full = lambda i: (0, 0)
    return pl.pallas_call(
        body,
        grid=(grid,),
        in_specs=[
            pl.BlockSpec((blk, d), lambda i: (i, 0)),
            pl.BlockSpec((NC, blk, d), lambda i: (0, i, 0)),
            pl.BlockSpec((NC, blk, de), lambda i: (0, i, 0)),
            pl.BlockSpec((1, 1), full),
            pl.BlockSpec((d, d), full),
            pl.BlockSpec((1, d), full),
            pl.BlockSpec((d, d), full),
            pl.BlockSpec((1, d), full),
            pl.BlockSpec((de, d), full),
            pl.BlockSpec((1, d), full),
            pl.BlockSpec((1, d), full),
        ],
        out_specs=pl.BlockSpec((blk, d), lambda i: (i, 0)),
        out_shape=jax.ShapeDtypeStruct((n, d), jnp.float32),
    )(x, px, pea, epsv, W1, b1v, W2, b2v, We, gammav, betav)


def kernel(x, edge_index, edge_attr, eps, W1, b1, W2, b2, We, be, gamma, beta):
    n, d = x.shape
    e, de = edge_attr.shape

    ei1 = edge_index.astype(jnp.int32).reshape(2 * e)
    ea_r = edge_attr.reshape(e // CHUNK, CHUNK, de)
    xb = x + be.reshape(1, d)

    n_acc = -(-n // (NS * 8)) * (NS * 8)

    px = _sc_x_segment_sum(xb, ei1, n_acc)
    pea = _sc_ea_segment_sum(ei1, ea_r, n_acc)
    return _tc_dense(x, px, pea, eps, W1, b1, W2, b2, We, gamma, beta)

# --- scband reference (transcript-rebuilt; emitter-appended) ---
"""Pipeline reference for scband-ginelayer-2954937499916 (READ-ONLY COPY).

The authoritative reference and input builder live on the scoring server;
editing this copy changes nothing except your own understanding.
"""

import jax, jax.numpy as jnp
import numpy as np

N = 10000
E = 320000
D = 128
DE = 16

def setup_inputs(seed: int = 0) -> dict:
    key = jax.random.key(seed)
    ks = jax.random.split(key, 12)
    x = jax.random.normal(ks[0], (N, D), dtype=jnp.float32)
    edge_index = jax.random.randint(ks[1], (2, E), 0, N, dtype=jnp.int64)
    edge_attr = jax.random.normal(ks[2], (E, DE), dtype=jnp.float32)
    s1 = 1.0 / np.sqrt(D)
    s2 = 1.0 / np.sqrt(DE)
    W1 = jax.random.uniform(ks[3], (D, D), jnp.float32, -s1, s1)
    b1 = jax.random.uniform(ks[4], (D,), jnp.float32, -s1, s1)
    W2 = jax.random.uniform(ks[5], (D, D), jnp.float32, -s1, s1)
    b2 = jax.random.uniform(ks[6], (D,), jnp.float32, -s1, s1)
    We = jax.random.uniform(ks[7], (DE, D), jnp.float32, -s2, s2)
    be = jax.random.uniform(ks[8], (D,), jnp.float32, -s2, s2)
    eps = jnp.asarray(0.0, dtype=jnp.float32)
    gamma = jnp.ones((D,), dtype=jnp.float32)
    beta = jnp.zeros((D,), dtype=jnp.float32)
    return {"x": x, "edge_index": edge_index, "edge_attr": edge_attr, "eps": eps,
            "W1": W1, "b1": b1, "W2": W2, "b2": b2, "We": We, "be": be,
            "gamma": gamma, "beta": beta}

def _layernorm(h, gamma, beta):
    mu = jnp.mean(h, axis=-1, keepdims=True)
    var = jnp.mean((h - mu) ** 2, axis=-1, keepdims=True)
    return (h - mu) / jnp.sqrt(var + 1e-5) * gamma + beta

def reference(x, edge_index, edge_attr, eps, W1, b1, W2, b2, We, be, gamma, beta):
    i = edge_index[0]
    j = edge_index[1]
    msg = jnp.take(x, j, axis=0)  # gather source-node features per edge
    ea = edge_attr @ We + be
    msg = msg + ea
    agg = jax.ops.segment_sum(msg, i, num_segments=x.shape[0])  # scatter-add to dst nodes
    h = (1.0 + eps) * x + agg
    h = jnp.maximum(h @ W1 + b1, 0.0)
    h = h @ W2 + b2
    # dropout p=0.0 -> identity
    return _layernorm(h, gamma, beta)

if __name__ == "__main__":
    import jax
    _d = setup_inputs()
    print(jax.jit(kernel)(*tuple(_d.values())))

</pallas_src>

<mosaic_0001>
#map = affine_map<(d0, d1) -> (0)>
#map1 = affine_map<(d0, d1) -> (0, 0, 0)>
#map2 = affine_map<(d0, d1) -> (0, 0)>
module attributes {stable_mosaic.version = 14 : i64} {
  func.func @sc_kernel(%arg0: i32, %arg1: i32, %arg2: memref<640000xi32, #tpu.memory_space<hbm>>, %arg3: memref<4000x80x16xf32, #tpu.memory_space<hbm>>, %arg4: memref<632x16xf32, #tpu.memory_space<hbm>>, %arg5: memref<2x10112x16xf32, #tpu.memory_space<hbm>>, %arg6: memref<10112x16xf32, #tpu.memory_space<vmem_shared>>, %arg7: memref<80xi32, #tpu.memory_space<vmem>>, %arg8: memref<80xi32, #tpu.memory_space<vmem>>, %arg9: memref<80xi32, #tpu.memory_space<vmem>>, %arg10: memref<80x16xf32, #tpu.memory_space<vmem>>, %arg11: memref<80x16xf32, #tpu.memory_space<vmem>>, %arg12: memref<80x16xf32, #tpu.memory_space<vmem>>, %arg13: memref<!tpu.dma_semaphore, #tpu.memory_space<semaphore_mem>>, %arg14: memref<!tpu.dma_semaphore, #tpu.memory_space<semaphore_mem>>, %arg15: memref<!tpu.dma_semaphore, #tpu.memory_space<semaphore_mem>>, %arg16: memref<!tpu.dma_semaphore, #tpu.memory_space<semaphore_mem>>, %arg17: memref<!tpu.dma_semaphore, #tpu.memory_space<semaphore_mem>>, %arg18: memref<!tpu.dma_semaphore, #tpu.memory_space<semaphore_mem>>) attributes {dimension_semantics = [#tpu.dimension_semantics<core_parallel>, #tpu.dimension_semantics<subcore_parallel>], iteration_bounds = array<i64: 2, 16>, scalar_prefetch = 0 : i64, scratch_operands = 13 : i64, tpu.core_type = #tpu.core_type<sc_vector_subcore>, window_params = [{transform_indices = #map}, {transform_indices = #map1}, {transform_indices = #map2}, {transform_indices = #map1}]} {
    %mul3A = arith.constant 2 : i32
    %mul3A_0 = arith.muli %arg1, %mul3A : i32
    %add3A = arith.addi %mul3A_0, %arg0 : i32
    %mul3A_1 = arith.constant 632 : i32
    %mul3A_2 = arith.muli %arg1, %mul3A_1 : i32
    "tpu.region"() ({
      %run_scoped3A = tpu.sem_alloc : memref<!tpu.dma_semaphore, #tpu.memory_space<semaphore_mem>>
      %dma_start3A_186 = arith.constant 0 : i32
      %dma_start3A_187 = tpu.memref_slice %arg6[%mul3A_2, %dma_start3A_186] : memref<10112x16xf32, #tpu.memory_space<vmem_shared>> -> memref<632x16xf32, #tpu.memory_space<vmem_shared>>
      tpu.enqueue_dma source(%arg4 : memref<632x16xf32, #tpu.memory_space<hbm>>) target(%dma_start3A_187 : memref<632x16xf32, #tpu.memory_space<vmem_shared>>) target_semaphore(%run_scoped3A : memref<!tpu.dma_semaphore, #tpu.memory_space<semaphore_mem>>)
      %dma_wait3A_188 = arith.constant 0 : i32
      %dma_wait3A_189 = tpu.memref_slice %arg6[%mul3A_2, %dma_wait3A_188] : memref<10112x16xf32, #tpu.memory_space<vmem_shared>> -> memref<632x16xf32, #tpu.memory_space<vmem_shared>>
      tpu.wait_dma2 semaphore(%run_scoped3A : memref<!tpu.dma_semaphore, #tpu.memory_space<semaphore_mem>>) src(%arg4 : memref<632x16xf32, #tpu.memory_space<hbm>>) dst(%dma_wait3A_189 : memref<632x16xf32, #tpu.memory_space<vmem_shared>>)
      tpu.yield
    }) : () -> ()
    %barrier3A = arith.constant 0 : index
    tpu.barrier barrier_id(%barrier3A)
    %mul3A_3 = arith.constant 125 : i32
    %mul3A_4 = arith.muli %add3A, %mul3A_3 : i32
    %add3A_5 = arith.constant 0 : i32
    %add3A_6 = arith.addi %mul3A_4, %add3A_5 : i32
    %mul3A_7 = arith.constant 80 : i32
    %mul3A_8 = arith.muli %add3A_6, %mul3A_7 : i32
    %dma_start3A = tpu.memref_slice %arg2[%mul3A_8] : memref<640000xi32, #tpu.memory_space<hbm>> -> memref<80xi32, #tpu.memory_space<hbm>>
    %dma_start3A_9 = tpu.memref_slice %arg2[%mul3A_8] : memref<640000xi32, #tpu.memory_space<hbm>> -> memref<80xi32, #tpu.memory_space<hbm>>
    tpu.enqueue_dma source(%dma_start3A_9 : memref<80xi32, #tpu.memory_space<hbm>>) target(%arg7 : memref<80xi32, #tpu.memory_space<vmem>>) target_semaphore(%arg13 : memref<!tpu.dma_semaphore, #tpu.memory_space<semaphore_mem>>)
    %add3A_10 = arith.constant 0 : i32
    %add3A_11 = arith.addi %mul3A_4, %add3A_10 : i32
    %dma_start3A_12 = arith.constant 0 : i32
    %dma_start3A_13 = arith.constant 0 : i32
    %dma_start3A_14 = tpu.memref_slice %arg3[%add3A_11, %dma_start3A_12, %dma_start3A_13] : memref<4000x80x16xf32, #tpu.memory_space<hbm>> -> memref<1x80x16xf32, #tpu.memory_space<hbm>>
    %dma_start3A_15 = tpu.memref_squeeze %dma_start3A_14 : memref<1x80x16xf32, #tpu.memory_space<hbm>> -> memref<80x16xf32, #tpu.memory_space<hbm>>
    %dma_start3A_16 = arith.constant 0 : i32
    %dma_start3A_17 = arith.constant 0 : i32
    %dma_start3A_18 = tpu.memref_slice %arg3[%add3A_11, %dma_start3A_16, %dma_start3A_17] : memref<4000x80x16xf32, #tpu.memory_space<hbm>> -> memref<1x80x16xf32, #tpu.memory_space<hbm>>
    %dma_start3A_19 = tpu.memref_squeeze %dma_start3A_18 : memref<1x80x16xf32, #tpu.memory_space<hbm>> -> memref<80x16xf32, #tpu.memory_space<hbm>>
    tpu.enqueue_dma source(%dma_start3A_19 : memref<80x16xf32, #tpu.memory_space<hbm>>) target(%arg10 : memref<80x16xf32, #tpu.memory_space<vmem>>) target_semaphore(%arg13 : memref<!tpu.dma_semaphore, #tpu.memory_space<semaphore_mem>>)
    %add3A_20 = arith.constant 1 : i32
    %add3A_21 = arith.addi %mul3A_4, %add3A_20 : i32
    %mul3A_22 = arith.constant 80 : i32
    %mul3A_23 = arith.muli %add3A_21, %mul3A_22 : i32
    %dma_start3A_24 = tpu.memref_slice %arg2[%mul3A_23] : memref<640000xi32, #tpu.memory_space<hbm>> -> memref<80xi32, #tpu.memory_space<hbm>>
    %dma_start3A_25 = tpu.memref_slice %arg2[%mul3A_23] : memref<640000xi32, #tpu.memory_space<hbm>> -> memref<80xi32, #tpu.memory_space<hbm>>
    tpu.enqueue_dma source(%dma_start3A_25 : memref<80xi32, #tpu.memory_space<hbm>>) target(%arg8 : memref<80xi32, #tpu.memory_space<vmem>>) target_semaphore(%arg14 : memref<!tpu.dma_semaphore, #tpu.memory_space<semaphore_mem>>)
    %add3A_26 = arith.constant 1 : i32
    %add3A_27 = arith.addi %mul3A_4, %add3A_26 : i32
    %dma_start3A_28 = arith.constant 0 : i32
    %dma_start3A_29 = arith.constant 0 : i32
    %dma_start3A_30 = tpu.memref_slice %arg3[%add3A_27, %dma_start3A_28, %dma_start3A_29] : memref<4000x80x16xf32, #tpu.memory_space<hbm>> -> memref<1x80x16xf32, #tpu.memory_space<hbm>>
    %dma_start3A_31 = tpu.memref_squeeze %dma_start3A_30 : memref<1x80x16xf32, #tpu.memory_space<hbm>> -> memref<80x16xf32, #tpu.memory_space<hbm>>
    %dma_start3A_32 = arith.constant 0 : i32
    %dma_start3A_33 = arith.constant 0 : i32
    %dma_start3A_34 = tpu.memref_slice %arg3[%add3A_27, %dma_start3A_32, %dma_start3A_33] : memref<4000x80x16xf32, #tpu.memory_space<hbm>> -> memref<1x80x16xf32, #tpu.memory_space<hbm>>
    %dma_start3A_35 = tpu.memref_squeeze %dma_start3A_34 : memref<1x80x16xf32, #tpu.memory_space<hbm>> -> memref<80x16xf32, #tpu.memory_space<hbm>>
    tpu.enqueue_dma source(%dma_start3A_35 : memref<80x16xf32, #tpu.memory_space<hbm>>) target(%arg11 : memref<80x16xf32, #tpu.memory_space<vmem>>) target_semaphore(%arg14 : memref<!tpu.dma_semaphore, #tpu.memory_space<semaphore_mem>>)
    %dma_wait3A = arith.constant 0 : i32
    %dma_wait3A_36 = tpu.memref_slice %arg2[%dma_wait3A] : memref<640000xi32, #tpu.memory_space<hbm>> -> memref<80xi32, #tpu.memory_space<hbm>>
    %dma_wait3A_37 = arith.constant 0 : i32
    %dma_wait3A_38 = tpu.memref_slice %arg2[%dma_wait3A_37] : memref<640000xi32, #tpu.memory_space<hbm>> -> memref<80xi32, #tpu.memory_space<hbm>>
    tpu.wait_dma2 semaphore(%arg13 : memref<!tpu.dma_semaphore, #tpu.memory_space<semaphore_mem>>) src(%dma_wait3A_38 : memref<80xi32, #tpu.memory_space<hbm>>) dst(%arg7 : memref<80xi32, #tpu.memory_space<vmem>>)
    %dma_wait3A_39 = arith.constant 0 : i32
    %dma_wait3A_40 = arith.constant 0 : i32
    %dma_wait3A_41 = arith.constant 0 : i32
    %dma_wait3A_42 = tpu.memref_slice %arg3[%dma_wait3A_39, %dma_wait3A_40, %dma_wait3A_41] : memref<4000x80x16xf32, #tpu.memory_space<hbm>> -> memref<1x80x16xf32, #tpu.memory_space<hbm>>
    %dma_wait3A_43 = tpu.memref_squeeze %dma_wait3A_42 : memref<1x80x16xf32, #tpu.memory_space<hbm>> -> memref<80x16xf32, #tpu.memory_space<hbm>>
    %dma_wait3A_44 = arith.constant 0 : i32
    %dma_wait3A_45 = arith.constant 0 : i32
    %dma_wait3A_46 = tpu.memref_slice %arg3[%dma_wait3A_39, %dma_wait3A_44, %dma_wait3A_45] : memref<4000x80x16xf32, #tpu.memory_space<hbm>> -> memref<1x80x16xf32, #tpu.memory_space<hbm>>
    %dma_wait3A_47 = tpu.memref_squeeze %dma_wait3A_46 : memref<1x80x16xf32, #tpu.memory_space<hbm>> -> memref<80x16xf32, #tpu.memory_space<hbm>>
    tpu.wait_dma2 semaphore(%arg13 : memref<!tpu.dma_semaphore, #tpu.memory_space<semaphore_mem>>) src(%dma_wait3A_47 : memref<80x16xf32, #tpu.memory_space<hbm>>) dst(%arg10 : memref<80x16xf32, #tpu.memory_space<vmem>>)
    %dma_start3A_48 = arith.constant 0 : i32
    %dma_start3A_49 = arith.constant 0 : i32
    %dma_start3A_50 = tpu.memref_slice %arg6[%dma_start3A_48, %dma_start3A_49] : memref<10112x16xf32, #tpu.memory_space<vmem_shared>> -> memref<10112x16xf32, #tpu.memory_space<vmem_shared>>
    tpu.enqueue_indirect_dma source(%arg10 : memref<80x16xf32, #tpu.memory_space<vmem>>) target(%dma_start3A_50 : memref<10112x16xf32, #tpu.memory_space<vmem_shared>>) offsets(%arg7 : memref<80xi32, #tpu.memory_space<vmem>>) semaphore(%arg16 : memref<!tpu.dma_semaphore, #tpu.memory_space<semaphore_mem>>) {add = true}
    %add3A_51 = arith.constant 2 : i32
    %add3A_52 = arith.addi %mul3A_4, %add3A_51 : i32
    %mul3A_53 = arith.constant 80 : i32
    %mul3A_54 = arith.muli %add3A_52, %mul3A_53 : i32
    %dma_start3A_55 = tpu.memref_slice %arg2[%mul3A_54] : memref<640000xi32, #tpu.memory_space<hbm>> -> memref<80xi32, #tpu.memory_space<hbm>>
    %dma_start3A_56 = tpu.memref_slice %arg2[%mul3A_54] : memref<640000xi32, #tpu.memory_space<hbm>> -> memref<80xi32, #tpu.memory_space<hbm>>
    tpu.enqueue_dma source(%dma_start3A_56 : memref<80xi32, #tpu.memory_space<hbm>>) target(%arg9 : memref<80xi32, #tpu.memory_space<vmem>>) target_semaphore(%arg15 : memref<!tpu.dma_semaphore, #tpu.memory_space<semaphore_mem>>)
    %add3A_57 = arith.constant 2 : i32
    %add3A_58 = arith.addi %mul3A_4, %add3A_57 : i32
    %dma_start3A_59 = arith.constant 0 : i32
    %dma_start3A_60 = arith.constant 0 : i32
    %dma_start3A_61 = tpu.memref_slice %arg3[%add3A_58, %dma_start3A_59, %dma_start3A_60] : memref<4000x80x16xf32, #tpu.memory_space<hbm>> -> memref<1x80x16xf32, #tpu.memory_space<hbm>>
    %dma_start3A_62 = tpu.memref_squeeze %dma_start3A_61 : memref<1x80x16xf32, #tpu.memory_space<hbm>> -> memref<80x16xf32, #tpu.memory_space<hbm>>
    %dma_start3A_63 = arith.constant 0 : i32
    %dma_start3A_64 = arith.constant 0 : i32
    %dma_start3A_65 = tpu.memref_slice %arg3[%add3A_58, %dma_start3A_63, %dma_start3A_64] : memref<4000x80x16xf32, #tpu.memory_space<hbm>> -> memref<1x80x16xf32, #tpu.memory_space<hbm>>
    %dma_start3A_66 = tpu.memref_squeeze %dma_start3A_65 : memref<1x80x16xf32, #tpu.memory_space<hbm>> -> memref<80x16xf32, #tpu.memory_space<hbm>>
    tpu.enqueue_dma source(%dma_start3A_66 : memref<80x16xf32, #tpu.memory_space<hbm>>) target(%arg12 : memref<80x16xf32, #tpu.memory_space<vmem>>) target_semaphore(%arg15 : memref<!tpu.dma_semaphore, #tpu.memory_space<semaphore_mem>>)
    %dma_wait3A_67 = arith.constant 0 : i32
    %dma_wait3A_68 = tpu.memref_slice %arg2[%dma_wait3A_67] : memref<640000xi32, #tpu.memory_space<hbm>> -> memref<80xi32, #tpu.memory_space<hbm>>
    %dma_wait3A_69 = arith.constant 0 : i32
    %dma_wait3A_70 = tpu.memref_slice %arg2[%dma_wait3A_69] : memref<640000xi32, #tpu.memory_space<hbm>> -> memref<80xi32, #tpu.memory_space<hbm>>
    tpu.wait_dma2 semaphore(%arg14 : memref<!tpu.dma_semaphore, #tpu.memory_space<semaphore_mem>>) src(%dma_wait3A_70 : memref<80xi32, #tpu.memory_space<hbm>>) dst(%arg8 : memref<80xi32, #tpu.memory_space<vmem>>)
    %dma_wait3A_71 = arith.constant 0 : i32
    %dma_wait3A_72 = arith.constant 0 : i32
    %dma_wait3A_73 = arith.constant 0 : i32
    %dma_wait3A_74 = tpu.memref_slice %arg3[%dma_wait3A_71, %dma_wait3A_72, %dma_wait3A_73] : memref<4000x80x16xf32, #tpu.memory_space<hbm>> -> memref<1x80x16xf32, #tpu.memory_space<hbm>>
    %dma_wait3A_75 = tpu.memref_squeeze %dma_wait3A_74 : memref<1x80x16xf32, #tpu.memory_space<hbm>> -> memref<80x16xf32, #tpu.memory_space<hbm>>
    %dma_wait3A_76 = arith.constant 0 : i32
    %dma_wait3A_77 = arith.constant 0 : i32
    %dma_wait3A_78 = tpu.memref_slice %arg3[%dma_wait3A_71, %dma_wait3A_76, %dma_wait3A_77] : memref<4000x80x16xf32, #tpu.memory_space<hbm>> -> memref<1x80x16xf32, #tpu.memory_space<hbm>>
    %dma_wait3A_79 = tpu.memref_squeeze %dma_wait3A_78 : memref<1x80x16xf32, #tpu.memory_space<hbm>> -> memref<80x16xf32, #tpu.memory_space<hbm>>
    tpu.wait_dma2 semaphore(%arg14 : memref<!tpu.dma_semaphore, #tpu.memory_space<semaphore_mem>>) src(%dma_wait3A_79 : memref<80x16xf32, #tpu.memory_space<hbm>>) dst(%arg11 : memref<80x16xf32, #tpu.memory_space<vmem>>)
    %dma_start3A_80 = arith.constant 0 : i32
    %dma_start3A_81 = arith.constant 0 : i32
    %dma_start3A_82 = tpu.memref_slice %arg6[%dma_start3A_80, %dma_start3A_81] : memref<10112x16xf32, #tpu.memory_space<vmem_shared>> -> memref<10112x16xf32, #tpu.memory_space<vmem_shared>>
    tpu.enqueue_indirect_dma source(%arg11 : memref<80x16xf32, #tpu.memory_space<vmem>>) target(%dma_start3A_82 : memref<10112x16xf32, #tpu.memory_space<vmem_shared>>) offsets(%arg8 : memref<80xi32, #tpu.memory_space<vmem>>) semaphore(%arg17 : memref<!tpu.dma_semaphore, #tpu.memory_space<semaphore_mem>>) {add = true}
    %dma_wait3A_83 = arith.constant 0 : i32
    %dma_wait3A_84 = arith.constant 0 : i32
    %dma_wait3A_85 = tpu.memref_slice %arg6[%dma_wait3A_83, %dma_wait3A_84] : memref<10112x16xf32, #tpu.memory_space<vmem_shared>> -> memref<10112x16xf32, #tpu.memory_space<vmem_shared>>
    tpu.wait_indirect_dma semaphore(%arg16 : memref<!tpu.dma_semaphore, #tpu.memory_space<semaphore_mem>>) src(%arg10 : memref<80x16xf32, #tpu.memory_space<vmem>>) dst(%dma_wait3A_85 : memref<10112x16xf32, #tpu.memory_space<vmem_shared>>)
    %add3A_86 = arith.constant 3 : i32
    %add3A_87 = arith.addi %mul3A_4, %add3A_86 : i32
    %mul3A_88 = arith.constant 80 : i32
    %mul3A_89 = arith.muli %add3A_87, %mul3A_88 : i32
    %dma_start3A_90 = tpu.memref_slice %arg2[%mul3A_89] : memref<640000xi32, #tpu.memory_space<hbm>> -> memref<80xi32, #tpu.memory_space<hbm>>
    %dma_start3A_91 = tpu.memref_slice %arg2[%mul3A_89] : memref<640000xi32, #tpu.memory_space<hbm>> -> memref<80xi32, #tpu.memory_space<hbm>>
    tpu.enqueue_dma source(%dma_start3A_91 : memref<80xi32, #tpu.memory_space<hbm>>) target(%arg7 : memref<80xi32, #tpu.memory_space<vmem>>) target_semaphore(%arg13 : memref<!tpu.dma_semaphore, #tpu.memory_space<semaphore_mem>>)
    %add3A_92 = arith.constant 3 : i32
    %add3A_93 = arith.addi %mul3A_4, %add3A_92 : i32
    %dma_start3A_94 = arith.constant 0 : i32
    %dma_start3A_95 = arith.constant 0 : i32
    %dma_start3A_96 = tpu.memref_slice %arg3[%add3A_93, %dma_start3A_94, %dma_start3A_95] : memref<4000x80x16xf32, #tpu.memory_space<hbm>> -> memref<1x80x16xf32, #tpu.memory_space<hbm>>
    %dma_start3A_97 = tpu.memref_squeeze %dma_start3A_96 : memref<1x80x16xf32, #tpu.memory_space<hbm>> -> memref<80x16xf32, #tpu.memory_space<hbm>>
    %dma_start3A_98 = arith.constant 0 : i32
    %dma_start3A_99 = arith.constant 0 : i32
    %dma_start3A_100 = tpu.memref_slice %arg3[%add3A_93, %dma_start3A_98, %dma_start3A_99] : memref<4000x80x16xf32, #tpu.memory_space<hbm>> -> memref<1x80x16xf32, #tpu.memory_space<hbm>>
    %dma_start3A_101 = tpu.memref_squeeze %dma_start3A_100 : memref<1x80x16xf32, #tpu.memory_space<hbm>> -> memref<80x16xf32, #tpu.memory_space<hbm>>
    tpu.enqueue_dma source(%dma_start3A_101 : memref<80x16xf32, #tpu.memory_space<hbm>>) target(%arg10 : memref<80x16xf32, #tpu.memory_space<vmem>>) target_semaphore(%arg13 : memref<!tpu.dma_semaphore, #tpu.memory_space<semaphore_mem>>)
    %scan3A = arith.constant 0 : i32
    %scan3A_102 = arith.constant 0 : i32
    %scan3A_103 = arith.constant 40 : i32
    %scan3A_104 = arith.addi %scan3A_102, %scan3A_103 : i32
    %scan3A_105 = arith.constant 1 : i32
    scf.for %scan3A_186 = %scan3A_102 to %scan3A_104 step %scan3A_105  : i32 {
      %mul3A_187 = arith.constant 3 : i32
      %mul3A_188 = arith.muli %mul3A_187, %scan3A_186 : i32
      %add3A_189 = arith.constant 2 : i32
      %add3A_190 = arith.addi %add3A_189, %mul3A_188 : i32
      %add3A_191 = arith.constant 0 : i32
      %add3A_192 = arith.addi %add3A_190, %add3A_191 : i32
      %dma_wait3A_193 = arith.constant 0 : i32
      %dma_wait3A_194 = tpu.memref_slice %arg2[%dma_wait3A_193] : memref<640000xi32, #tpu.memory_space<hbm>> -> memref<80xi32, #tpu.memory_space<hbm>>
      %dma_wait3A_195 = arith.constant 0 : i32
      %dma_wait3A_196 = tpu.memref_slice %arg2[%dma_wait3A_195] : memref<640000xi32, #tpu.memory_space<hbm>> -> memref<80xi32, #tpu.memory_space<hbm>>
      tpu.wait_dma2 semaphore(%arg15 : memref<!tpu.dma_semaphore, #tpu.memory_space<semaphore_mem>>) src(%dma_wait3A_196 : memref<80xi32, #tpu.memory_space<hbm>>) dst(%arg9 : memref<80xi32, #tpu.memory_space<vmem>>)
      %dma_wait3A_197 = arith.constant 0 : i32
      %dma_wait3A_198 = arith.constant 0 : i32
      %dma_wait3A_199 = arith.constant 0 : i32
      %dma_wait3A_200 = tpu.memref_slice %arg3[%dma_wait3A_197, %dma_wait3A_198, %dma_wait3A_199] : memref<4000x80x16xf32, #tpu.memory_space<hbm>> -> memref<1x80x16xf32, #tpu.memory_space<hbm>>
      %dma_wait3A_201 = tpu.memref_squeeze %dma_wait3A_200 : memref<1x80x16xf32, #tpu.memory_space<hbm>> -> memref<80x16xf32, #tpu.memory_space<hbm>>
      %dma_wait3A_202 = arith.constant 0 : i32
      %dma_wait3A_203 = arith.constant 0 : i32
      %dma_wait3A_204 = tpu.memref_slice %arg3[%dma_wait3A_197, %dma_wait3A_202, %dma_wait3A_203] : memref<4000x80x16xf32, #tpu.memory_space<hbm>> -> memref<1x80x16xf32, #tpu.memory_space<hbm>>
      %dma_wait3A_205 = tpu.memref_squeeze %dma_wait3A_204 : memref<1x80x16xf32, #tpu.memory_space<hbm>> -> memref<80x16xf32, #tpu.memory_space<hbm>>
      tpu.wait_dma2 semaphore(%arg15 : memref<!tpu.dma_semaphore, #tpu.memory_space<semaphore_mem>>) src(%dma_wait3A_205 : memref<80x16xf32, #tpu.memory_space<hbm>>) dst(%arg12 : memref<80x16xf32, #tpu.memory_space<vmem>>)
      %dma_wait3A_206 = arith.constant 0 : i32
      %dma_wait3A_207 = arith.constant 0 : i32
      %dma_wait3A_208 = tpu.memref_slice %arg6[%dma_wait3A_206, %dma_wait3A_207] : memref<10112x16xf32, #tpu.memory_space<vmem_shared>> -> memref<10112x16xf32, #tpu.memory_space<vmem_shared>>
      tpu.wait_indirect_dma semaphore(%arg17 : memref<!tpu.dma_semaphore, #tpu.memory_space<semaphore_mem>>) src(%arg11 : memref<80x16xf32, #tpu.memory_space<vmem>>) dst(%dma_wait3A_208 : memref<10112x16xf32, #tpu.memory_space<vmem_shared>>)
      %dma_start3A_209 = arith.constant 0 : i32
      %dma_start3A_210 = arith.constant 0 : i32
      %dma_start3A_211 = tpu.memref_slice %arg6[%dma_start3A_209, %dma_start3A_210] : memref<10112x16xf32, #tpu.memory_space<vmem_shared>> -> memref<10112x16xf32, #tpu.memory_space<vmem_shared>>
      tpu.enqueue_indirect_dma source(%arg12 : memref<80x16xf32, #tpu.memory_space<vmem>>) target(%dma_start3A_211 : memref<10112x16xf32, #tpu.memory_space<vmem_shared>>) offsets(%arg9 : memref<80xi32, #tpu.memory_space<vmem>>) semaphore(%arg18 : memref<!tpu.dma_semaphore, #tpu.memory_space<semaphore_mem>>) {add = true}
      %add3A_212 = arith.constant 2 : i32
      %add3A_213 = arith.addi %add3A_192, %add3A_212 : i32
      %add3A_214 = arith.addi %mul3A_4, %add3A_213 : i32
      %mul3A_215 = arith.constant 80 : i32
      %mul3A_216 = arith.muli %add3A_214, %mul3A_215 : i32
      %dma_start3A_217 = tpu.memref_slice %arg2[%mul3A_216] : memref<640000xi32, #tpu.memory_space<hbm>> -> memref<80xi32, #tpu.memory_space<hbm>>
      %dma_start3A_218 = tpu.memref_slice %arg2[%mul3A_216] : memref<640000xi32, #tpu.memory_space<hbm>> -> memref<80xi32, #tpu.memory_space<hbm>>
      tpu.enqueue_dma source(%dma_start3A_218 : memref<80xi32, #tpu.memory_space<hbm>>) target(%arg8 : memref<80xi32, #tpu.memory_space<vmem>>) target_semaphore(%arg14 : memref<!tpu.dma_semaphore, #tpu.memory_space<semaphore_mem>>)
      %add3A_219 = arith.addi %mul3A_4, %add3A_213 : i32
      %dma_start3A_220 = arith.constant 0 : i32
      %dma_start3A_221 = arith.constant 0 : i32
      %dma_start3A_222 = tpu.memref_slice %arg3[%add3A_219, %dma_start3A_220, %dma_start3A_221] : memref<4000x80x16xf32, #tpu.memory_space<hbm>> -> memref<1x80x16xf32, #tpu.memory_space<hbm>>
      %dma_start3A_223 = tpu.memref_squeeze %dma_start3A_222 : memref<1x80x16xf32, #tpu.memory_space<hbm>> -> memref<80x16xf32, #tpu.memory_space<hbm>>
      %dma_start3A_224 = arith.constant 0 : i32
      %dma_start3A_225 = arith.constant 0 : i32
      %dma_start3A_226 = tpu.memref_slice %arg3[%add3A_219, %dma_start3A_224, %dma_start3A_225] : memref<4000x80x16xf32, #tpu.memory_space<hbm>> -> memref<1x80x16xf32, #tpu.memory_space<hbm>>
      %dma_start3A_227 = tpu.memref_squeeze %dma_start3A_226 : memref<1x80x16xf32, #tpu.memory_space<hbm>> -> memref<80x16xf32, #tpu.memory_space<hbm>>
      tpu.enqueue_dma source(%dma_start3A_227 : memref<80x16xf32, #tpu.memory_space<hbm>>) target(%arg11 : memref<80x16xf32, #tpu.memory_space<vmem>>) target_semaphore(%arg14 : memref<!tpu.dma_semaphore, #tpu.memory_space<semaphore_mem>>)
      %add3A_228 = arith.constant 1 : i32
      %add3A_229 = arith.addi %add3A_190, %add3A_228 : i32
      %dma_wait3A_230 = arith.constant 0 : i32
      %dma_wait3A_231 = tpu.memref_slice %arg2[%dma_wait3A_230] : memref<640000xi32, #tpu.memory_space<hbm>> -> memref<80xi32, #tpu.memory_space<hbm>>
      %dma_wait3A_232 = arith.constant 0 : i32
      %dma_wait3A_233 = tpu.memref_slice %arg2[%dma_wait3A_232] : memref<640000xi32, #tpu.memory_space<hbm>> -> memref<80xi32, #tpu.memory_space<hbm>>
      tpu.wait_dma2 semaphore(%arg13 : memref<!tpu.dma_semaphore, #tpu.memory_space<semaphore_mem>>) src(%dma_wait3A_233 : memref<80xi32, #tpu.memory_space<hbm>>) dst(%arg7 : memref<80xi32, #tpu.memory_space<vmem>>)
      %dma_wait3A_234 = arith.constant 0 : i32
      %dma_wait3A_235 = arith.constant 0 : i32
      %dma_wait3A_236 = arith.constant 0 : i32
      %dma_wait3A_237 = tpu.memref_slice %arg3[%dma_wait3A_234, %dma_wait3A_235, %dma_wait3A_236] : memref<4000x80x16xf32, #tpu.memory_space<hbm>> -> memref<1x80x16xf32, #tpu.memory_space<hbm>>
      %dma_wait3A_238 = tpu.memref_squeeze %dma_wait3A_237 : memref<1x80x16xf32, #tpu.memory_space<hbm>> -> memref<80x16xf32, #tpu.memory_space<hbm>>
      %dma_wait3A_239 = arith.constant 0 : i32
      %dma_wait3A_240 = arith.constant 0 : i32
      %dma_wait3A_241 = tpu.memref_slice %arg3[%dma_wait3A_234, %dma_wait3A_239, %dma_wait3A_240] : memref<4000x80x16xf32, #tpu.memory_space<hbm>> -> memref<1x80x16xf32, #tpu.memory_space<hbm>>
      %dma_wait3A_242 = tpu.memref_squeeze %dma_wait3A_241 : memref<1x80x16xf32, #tpu.memory_space<hbm>> -> memref<80x16xf32, #tpu.memory_space<hbm>>
      tpu.wait_dma2 semaphore(%arg13 : memref<!tpu.dma_semaphore, #tpu.memory_space<semaphore_mem>>) src(%dma_wait3A_242 : memref<80x16xf32, #tpu.memory_space<hbm>>) dst(%arg10 : memref<80x16xf32, #tpu.memory_space<vmem>>)
      %dma_wait3A_243 = arith.constant 0 : i32
      %dma_wait3A_244 = arith.constant 0 : i32
      %dma_wait3A_245 = tpu.memref_slice %arg6[%dma_wait3A_243, %dma_wait3A_244] : memref<10112x16xf32, #tpu.memory_space<vmem_shared>> -> memref<10112x16xf32, #tpu.memory_space<vmem_shared>>
      tpu.wait_indirect_dma semaphore(%arg18 : memref<!tpu.dma_semaphore, #tpu.memory_space<semaphore_mem>>) src(%arg12 : memref<80x16xf32, #tpu.memory_space<vmem>>) dst(%dma_wait3A_245 : memref<10112x16xf32, #tpu.memory_space<vmem_shared>>)
      %dma_start3A_246 = arith.constant 0 : i32
      %dma_start3A_247 = arith.constant 0 : i32
      %dma_start3A_248 = tpu.memref_slice %arg6[%dma_start3A_246, %dma_start3A_247] : memref<10112x16xf32, #tpu.memory_space<vmem_shared>> -> memref<10112x16xf32, #tpu.memory_space<vmem_shared>>
      tpu.enqueue_indirect_dma source(%arg10 : memref<80x16xf32, #tpu.memory_space<vmem>>) target(%dma_start3A_248 : memref<10112x16xf32, #tpu.memory_space<vmem_shared>>) offsets(%arg7 : memref<80xi32, #tpu.memory_space<vmem>>) semaphore(%arg16 : memref<!tpu.dma_semaphore, #tpu.memory_space<semaphore_mem>>) {add = true}
      %add3A_249 = arith.constant 2 : i32
      %add3A_250 = arith.addi %add3A_229, %add3A_249 : i32
      %add3A_251 = arith.addi %mul3A_4, %add3A_250 : i32
      %mul3A_252 = arith.constant 80 : i32
      %mul3A_253 = arith.muli %add3A_251, %mul3A_252 : i32
      %dma_start3A_254 = tpu.memref_slice %arg2[%mul3A_253] : memref<640000xi32, #tpu.memory_space<hbm>> -> memref<80xi32, #tpu.memory_space<hbm>>
      %dma_start3A_255 = tpu.memref_slice %arg2[%mul3A_253] : memref<640000xi32, #tpu.memory_space<hbm>> -> memref<80xi32, #tpu.memory_space<hbm>>
      tpu.enqueue_dma source(%dma_start3A_255 : memref<80xi32, #tpu.memory_space<hbm>>) target(%arg9 : memref<80xi32, #tpu.memory_space<vmem>>) target_semaphore(%arg15 : memref<!tpu.dma_semaphore, #tpu.memory_space<semaphore_mem>>)
      %add3A_256 = arith.addi %mul3A_4, %add3A_250 : i32
      %dma_start3A_257 = arith.constant 0 : i32
      %dma_start3A_258 = arith.constant 0 : i32
      %dma_start3A_259 = tpu.memref_slice %arg3[%add3A_256, %dma_start3A_257, %dma_start3A_258] : memref<4000x80x16xf32, #tpu.memory_space<hbm>> -> memref<1x80x16xf32, #tpu.memory_space<hbm>>
      %dma_start3A_260 = tpu.memref_squeeze %dma_start3A_259 : memref<1x80x16xf32, #tpu.memory_space<hbm>> -> memref<80x16xf32, #tpu.memory_space<hbm>>
      %dma_start3A_261 = arith.constant 0 : i32
      %dma_start3A_262 = arith.constant 0 : i32
      %dma_start3A_263 = tpu.memref_slice %arg3[%add3A_256, %dma_start3A_261, %dma_start3A_262] : memref<4000x80x16xf32, #tpu.memory_space<hbm>> -> memref<1x80x16xf32, #tpu.memory_space<hbm>>
      %dma_start3A_264 = tpu.memref_squeeze %dma_start3A_263 : memref<1x80x16xf32, #tpu.memory_space<hbm>> -> memref<80x16xf32, #tpu.memory_space<hbm>>
      tpu.enqueue_dma source(%dma_start3A_264 : memref<80x16xf32, #tpu.memory_space<hbm>>) target(%arg12 : memref<80x16xf32, #tpu.memory_space<vmem>>) target_semaphore(%arg15 : memref<!tpu.dma_semaphore, #tpu.memory_space<semaphore_mem>>)
      %add3A_265 = arith.constant 2 : i32
      %add3A_266 = arith.addi %add3A_190, %add3A_265 : i32
      %dma_wait3A_267 = arith.constant 0 : i32
      %dma_wait3A_268 = tpu.memref_slice %arg2[%dma_wait3A_267] : memref<640000xi32, #tpu.memory_space<hbm>> -> memref<80xi32, #tpu.memory_space<hbm>>
      %dma_wait3A_269 = arith.constant 0 : i32
      %dma_wait3A_270 = tpu.memref_slice %arg2[%dma_wait3A_269] : memref<640000xi32, #tpu.memory_space<hbm>> -> memref<80xi32, #tpu.memory_space<hbm>>
      tpu.wait_dma2 semaphore(%arg14 : memref<!tpu.dma_semaphore, #tpu.memory_space<semaphore_mem>>) src(%dma_wait3A_270 : memref<80xi32, #tpu.memory_space<hbm>>) dst(%arg8 : memref<80xi32, #tpu.memory_space<vmem>>)
      %dma_wait3A_271 = arith.constant 0 : i32
      %dma_wait3A_272 = arith.constant 0 : i32
      %dma_wait3A_273 = arith.constant 0 : i32
      %dma_wait3A_274 = tpu.memref_slice %arg3[%dma_wait3A_271, %dma_wait3A_272, %dma_wait3A_273] : memref<4000x80x16xf32, #tpu.memory_space<hbm>> -> memref<1x80x16xf32, #tpu.memory_space<hbm>>
      %dma_wait3A_275 = tpu.memref_squeeze %dma_wait3A_274 : memref<1x80x16xf32, #tpu.memory_space<hbm>> -> memref<80x16xf32, #tpu.memory_space<hbm>>
      %dma_wait3A_276 = arith.constant 0 : i32
      %dma_wait3A_277 = arith.constant 0 : i32
      %dma_wait3A_278 = tpu.memref_slice %arg3[%dma_wait3A_271, %dma_wait3A_276, %dma_wait3A_277] : memref<4000x80x16xf32, #tpu.memory_space<hbm>> -> memref<1x80x16xf32, #tpu.memory_space<hbm>>
      %dma_wait3A_279 = tpu.memref_squeeze %dma_wait3A_278 : memref<1x80x16xf32, #tpu.memory_space<hbm>> -> memref<80x16xf32, #tpu.memory_space<hbm>>
      tpu.wait_dma2 semaphore(%arg14 : memref<!tpu.dma_semaphore, #tpu.memory_space<semaphore_mem>>) src(%dma_wait3A_279 : memref<80x16xf32, #tpu.memory_space<hbm>>) dst(%arg11 : memref<80x16xf32, #tpu.memory_space<vmem>>)
      %dma_wait3A_280 = arith.constant 0 : i32
      %dma_wait3A_281 = arith.constant 0 : i32
      %dma_wait3A_282 = tpu.memref_slice %arg6[%dma_wait3A_280, %dma_wait3A_281] : memref<10112x16xf32, #tpu.memory_space<vmem_shared>> -> memref<10112x16xf32, #tpu.memory_space<vmem_shared>>
      tpu.wait_indirect_dma semaphore(%arg16 : memref<!tpu.dma_semaphore, #tpu.memory_space<semaphore_mem>>) src(%arg10 : memref<80x16xf32, #tpu.memory_space<vmem>>) dst(%dma_wait3A_282 : memref<10112x16xf32, #tpu.memory_space<vmem_shared>>)
      %dma_start3A_283 = arith.constant 0 : i32
      %dma_start3A_284 = arith.constant 0 : i32
      %dma_start3A_285 = tpu.memref_slice %arg6[%dma_start3A_283, %dma_start3A_284] : memref<10112x16xf32, #tpu.memory_space<vmem_shared>> -> memref<10112x16xf32, #tpu.memory_space<vmem_shared>>
      tpu.enqueue_indirect_dma source(%arg11 : memref<80x16xf32, #tpu.memory_space<vmem>>) target(%dma_start3A_285 : memref<10112x16xf32, #tpu.memory_space<vmem_shared>>) offsets(%arg8 : memref<80xi32, #tpu.memory_space<vmem>>) semaphore(%arg17 : memref<!tpu.dma_semaphore, #tpu.memory_space<semaphore_mem>>) {add = true}
      %add3A_286 = arith.constant 2 : i32
      %add3A_287 = arith.addi %add3A_266, %add3A_286 : i32
      %add3A_288 = arith.addi %mul3A_4, %add3A_287 : i32
      %mul3A_289 = arith.constant 80 : i32
      %mul3A_290 = arith.muli %add3A_288, %mul3A_289 : i32
      %dma_start3A_291 = tpu.memref_slice %arg2[%mul3A_290] : memref<640000xi32, #tpu.memory_space<hbm>> -> memref<80xi32, #tpu.memory_space<hbm>>
      %dma_start3A_292 = tpu.memref_slice %arg2[%mul3A_290] : memref<640000xi32, #tpu.memory_space<hbm>> -> memref<80xi32, #tpu.memory_space<hbm>>
      tpu.enqueue_dma source(%dma_start3A_292 : memref<80xi32, #tpu.memory_space<hbm>>) target(%arg7 : memref<80xi32, #tpu.memory_space<vmem>>) target_semaphore(%arg13 : memref<!tpu.dma_semaphore, #tpu.memory_space<semaphore_mem>>)
      %add3A_293 = arith.addi %mul3A_4, %add3A_287 : i32
      %dma_start3A_294 = arith.constant 0 : i32
      %dma_start3A_295 = arith.constant 0 : i32
      %dma_start3A_296 = tpu.memref_slice %arg3[%add3A_293, %dma_start3A_294, %dma_start3A_295] : memref<4000x80x16xf32, #tpu.memory_space<hbm>> -> memref<1x80x16xf32, #tpu.memory_space<hbm>>
      %dma_start3A_297 = tpu.memref_squeeze %dma_start3A_296 : memref<1x80x16xf32, #tpu.memory_space<hbm>> -> memref<80x16xf32, #tpu.memory_space<hbm>>
      %dma_start3A_298 = arith.constant 0 : i32
      %dma_start3A_299 = arith.constant 0 : i32
      %dma_start3A_300 = tpu.memref_slice %arg3[%add3A_293, %dma_start3A_298, %dma_start3A_299] : memref<4000x80x16xf32, #tpu.memory_space<hbm>> -> memref<1x80x16xf32, #tpu.memory_space<hbm>>
      %dma_start3A_301 = tpu.memref_squeeze %dma_start3A_300 : memref<1x80x16xf32, #tpu.memory_space<hbm>> -> memref<80x16xf32, #tpu.memory_space<hbm>>
      tpu.enqueue_dma source(%dma_start3A_301 : memref<80x16xf32, #tpu.memory_space<hbm>>) target(%arg10 : memref<80x16xf32, #tpu.memory_space<vmem>>) target_semaphore(%arg13 : memref<!tpu.dma_semaphore, #tpu.memory_space<semaphore_mem>>)
    }
    %scan3A_106 = arith.constant 40 : i32
    %dma_wait3A_107 = arith.constant 0 : i32
    %dma_wait3A_108 = tpu.memref_slice %arg2[%dma_wait3A_107] : memref<640000xi32, #tpu.memory_space<hbm>> -> memref<80xi32, #tpu.memory_space<hbm>>
    %dma_wait3A_109 = arith.constant 0 : i32
    %dma_wait3A_110 = tpu.memref_slice %arg2[%dma_wait3A_109] : memref<640000xi32, #tpu.memory_space<hbm>> -> memref<80xi32, #tpu.memory_space<hbm>>
    tpu.wait_dma2 semaphore(%arg15 : memref<!tpu.dma_semaphore, #tpu.memory_space<semaphore_mem>>) src(%dma_wait3A_110 : memref<80xi32, #tpu.memory_space<hbm>>) dst(%arg9 : memref<80xi32, #tpu.memory_space<vmem>>)
    %dma_wait3A_111 = arith.constant 0 : i32
    %dma_wait3A_112 = arith.constant 0 : i32
    %dma_wait3A_113 = arith.constant 0 : i32
    %dma_wait3A_114 = tpu.memref_slice %arg3[%dma_wait3A_111, %dma_wait3A_112, %dma_wait3A_113] : memref<4000x80x16xf32, #tpu.memory_space<hbm>> -> memref<1x80x16xf32, #tpu.memory_space<hbm>>
    %dma_wait3A_115 = tpu.memref_squeeze %dma_wait3A_114 : memref<1x80x16xf32, #tpu.memory_space<hbm>> -> memref<80x16xf32, #tpu.memory_space<hbm>>
    %dma_wait3A_116 = arith.constant 0 : i32
    %dma_wait3A_117 = arith.constant 0 : i32
    %dma_wait3A_118 = tpu.memref_slice %arg3[%dma_wait3A_111, %dma_wait3A_116, %dma_wait3A_117] : memref<4000x80x16xf32, #tpu.memory_space<hbm>> -> memref<1x80x16xf32, #tpu.memory_space<hbm>>
    %dma_wait3A_119 = tpu.memref_squeeze %dma_wait3A_118 : memref<1x80x16xf32, #tpu.memory_space<hbm>> -> memref<80x16xf32, #tpu.memory_space<hbm>>
    tpu.wait_dma2 semaphore(%arg15 : memref<!tpu.dma_semaphore, #tpu.memory_space<semaphore_mem>>) src(%dma_wait3A_119 : memref<80x16xf32, #tpu.memory_space<hbm>>) dst(%arg12 : memref<80x16xf32, #tpu.memory_space<vmem>>)
    %dma_wait3A_120 = arith.constant 0 : i32
    %dma_wait3A_121 = arith.constant 0 : i32
    %dma_wait3A_122 = tpu.memref_slice %arg6[%dma_wait3A_120, %dma_wait3A_121] : memref<10112x16xf32, #tpu.memory_space<vmem_shared>> -> memref<10112x16xf32, #tpu.memory_space<vmem_shared>>
    tpu.wait_indirect_dma semaphore(%arg17 : memref<!tpu.dma_semaphore, #tpu.memory_space<semaphore_mem>>) src(%arg11 : memref<80x16xf32, #tpu.memory_space<vmem>>) dst(%dma_wait3A_122 : memref<10112x16xf32, #tpu.memory_space<vmem_shared>>)
    %dma_start3A_123 = arith.constant 0 : i32
    %dma_start3A_124 = arith.constant 0 : i32
    %dma_start3A_125 = tpu.memref_slice %arg6[%dma_start3A_123, %dma_start3A_124] : memref<10112x16xf32, #tpu.memory_space<vmem_shared>> -> memref<10112x16xf32, #tpu.memory_space<vmem_shared>>
    tpu.enqueue_indirect_dma source(%arg12 : memref<80x16xf32, #tpu.memory_space<vmem>>) target(%dma_start3A_125 : memref<10112x16xf32, #tpu.memory_space<vmem_shared>>) offsets(%arg9 : memref<80xi32, #tpu.memory_space<vmem>>) semaphore(%arg18 : memref<!tpu.dma_semaphore, #tpu.memory_space<semaphore_mem>>) {add = true}
    %add3A_126 = arith.constant 124 : i32
    %add3A_127 = arith.addi %mul3A_4, %add3A_126 : i32
    %mul3A_128 = arith.constant 80 : i32
    %mul3A_129 = arith.muli %add3A_127, %mul3A_128 : i32
    %dma_start3A_130 = tpu.memref_slice %arg2[%mul3A_129] : memref<640000xi32, #tpu.memory_space<hbm>> -> memref<80xi32, #tpu.memory_space<hbm>>
    %dma_start3A_131 = tpu.memref_slice %arg2[%mul3A_129] : memref<640000xi32, #tpu.memory_space<hbm>> -> memref<80xi32, #tpu.memory_space<hbm>>
    tpu.enqueue_dma source(%dma_start3A_131 : memref<80xi32, #tpu.memory_space<hbm>>) target(%arg8 : memref<80xi32, #tpu.memory_space<vmem>>) target_semaphore(%arg14 : memref<!tpu.dma_semaphore, #tpu.memory_space<semaphore_mem>>)
    %add3A_132 = arith.constant 124 : i32
    %add3A_133 = arith.addi %mul3A_4, %add3A_132 : i32
    %dma_start3A_134 = arith.constant 0 : i32
    %dma_start3A_135 = arith.constant 0 : i32
    %dma_start3A_136 = tpu.memref_slice %arg3[%add3A_133, %dma_start3A_134, %dma_start3A_135] : memref<4000x80x16xf32, #tpu.memory_space<hbm>> -> memref<1x80x16xf32, #tpu.memory_space<hbm>>
    %dma_start3A_137 = tpu.memref_squeeze %dma_start3A_136 : memref<1x80x16xf32, #tpu.memory_space<hbm>> -> memref<80x16xf32, #tpu.memory_space<hbm>>
    %dma_start3A_138 = arith.constant 0 : i32
    %dma_start3A_139 = arith.constant 0 : i32
    %dma_start3A_140 = tpu.memref_slice %arg3[%add3A_133, %dma_start3A_138, %dma_start3A_139] : memref<4000x80x16xf32, #tpu.memory_space<hbm>> -> memref<1x80x16xf32, #tpu.memory_space<hbm>>
    %dma_start3A_141 = tpu.memref_squeeze %dma_start3A_140 : memref<1x80x16xf32, #tpu.memory_space<hbm>> -> memref<80x16xf32, #tpu.memory_space<hbm>>
    tpu.enqueue_dma source(%dma_start3A_141 : memref<80x16xf32, #tpu.memory_space<hbm>>) target(%arg11 : memref<80x16xf32, #tpu.memory_space<vmem>>) target_semaphore(%arg14 : memref<!tpu.dma_semaphore, #tpu.memory_space<semaphore_mem>>)
    %dma_wait3A_142 = arith.constant 0 : i32
    %dma_wait3A_143 = tpu.memref_slice %arg2[%dma_wait3A_142] : memref<640000xi32, #tpu.memory_space<hbm>> -> memref<80xi32, #tpu.memory_space<hbm>>
    %dma_wait3A_144 = arith.constant 0 : i32
    %dma_wait3A_145 = tpu.memref_slice %arg2[%dma_wait3A_144] : memref<640000xi32, #tpu.memory_space<hbm>> -> memref<80xi32, #tpu.memory_space<hbm>>
    tpu.wait_dma2 semaphore(%arg13 : memref<!tpu.dma_semaphore, #tpu.memory_space<semaphore_mem>>) src(%dma_wait3A_145 : memref<80xi32, #tpu.memory_space<hbm>>) dst(%arg7 : memref<80xi32, #tpu.memory_space<vmem>>)
    %dma_wait3A_146 = arith.constant 0 : i32
    %dma_wait3A_147 = arith.constant 0 : i32
    %dma_wait3A_148 = arith.constant 0 : i32
    %dma_wait3A_149 = tpu.memref_slice %arg3[%dma_wait3A_146, %dma_wait3A_147, %dma_wait3A_148] : memref<4000x80x16xf32, #tpu.memory_space<hbm>> -> memref<1x80x16xf32, #tpu.memory_space<hbm>>
    %dma_wait3A_150 = tpu.memref_squeeze %dma_wait3A_149 : memref<1x80x16xf32, #tpu.memory_space<hbm>> -> memref<80x16xf32, #tpu.memory_space<hbm>>
    %dma_wait3A_151 = arith.constant 0 : i32
    %dma_wait3A_152 = arith.constant 0 : i32
    %dma_wait3A_153 = tpu.memref_slice %arg3[%dma_wait3A_146, %dma_wait3A_151, %dma_wait3A_152] : memref<4000x80x16xf32, #tpu.memory_space<hbm>> -> memref<1x80x16xf32, #tpu.memory_space<hbm>>
    %dma_wait3A_154 = tpu.memref_squeeze %dma_wait3A_153 : memref<1x80x16xf32, #tpu.memory_space<hbm>> -> memref<80x16xf32, #tpu.memory_space<hbm>>
    tpu.wait_dma2 semaphore(%arg13 : memref<!tpu.dma_semaphore, #tpu.memory_space<semaphore_mem>>) src(%dma_wait3A_154 : memref<80x16xf32, #tpu.memory_space<hbm>>) dst(%arg10 : memref<80x16xf32, #tpu.memory_space<vmem>>)
    %dma_start3A_155 = arith.constant 0 : i32
    %dma_start3A_156 = arith.constant 0 : i32
    %dma_start3A_157 = tpu.memref_slice %arg6[%dma_start3A_155, %dma_start3A_156] : memref<10112x16xf32, #tpu.memory_space<vmem_shared>> -> memref<10112x16xf32, #tpu.memory_space<vmem_shared>>
    tpu.enqueue_indirect_dma source(%arg10 : memref<80x16xf32, #tpu.memory_space<vmem>>) target(%dma_start3A_157 : memref<10112x16xf32, #tpu.memory_space<vmem_shared>>) offsets(%arg7 : memref<80xi32, #tpu.memory_space<vmem>>) semaphore(%arg16 : memref<!tpu.dma_semaphore, #tpu.memory_space<semaphore_mem>>) {add = true}
    %dma_wait3A_158 = arith.constant 0 : i32
    %dma_wait3A_159 = tpu.memref_slice %arg2[%dma_wait3A_158] : memref<640000xi32, #tpu.memory_space<hbm>> -> memref<80xi32, #tpu.memory_space<hbm>>
    %dma_wait3A_160 = arith.constant 0 : i32
    %dma_wait3A_161 = tpu.memref_slice %arg2[%dma_wait3A_160] : memref<640000xi32, #tpu.memory_space<hbm>> -> memref<80xi32, #tpu.memory_space<hbm>>
    tpu.wait_dma2 semaphore(%arg14 : memref<!tpu.dma_semaphore, #tpu.memory_space<semaphore_mem>>) src(%dma_wait3A_161 : memref<80xi32, #tpu.memory_space<hbm>>) dst(%arg8 : memref<80xi32, #tpu.memory_space<vmem>>)
    %dma_wait3A_162 = arith.constant 0 : i32
    %dma_wait3A_163 = arith.constant 0 : i32
    %dma_wait3A_164 = arith.constant 0 : i32
    %dma_wait3A_165 = tpu.memref_slice %arg3[%dma_wait3A_162, %dma_wait3A_163, %dma_wait3A_164] : memref<4000x80x16xf32, #tpu.memory_space<hbm>> -> memref<1x80x16xf32, #tpu.memory_space<hbm>>
    %dma_wait3A_166 = tpu.memref_squeeze %dma_wait3A_165 : memref<1x80x16xf32, #tpu.memory_space<hbm>> -> memref<80x16xf32, #tpu.memory_space<hbm>>
    %dma_wait3A_167 = arith.constant 0 : i32
    %dma_wait3A_168 = arith.constant 0 : i32
    %dma_wait3A_169 = tpu.memref_slice %arg3[%dma_wait3A_162, %dma_wait3A_167, %dma_wait3A_168] : memref<4000x80x16xf32, #tpu.memory_space<hbm>> -> memref<1x80x16xf32, #tpu.memory_space<hbm>>
    %dma_wait3A_170 = tpu.memref_squeeze %dma_wait3A_169 : memref<1x80x16xf32, #tpu.memory_space<hbm>> -> memref<80x16xf32, #tpu.memory_space<hbm>>
    tpu.wait_dma2 semaphore(%arg14 : memref<!tpu.dma_semaphore, #tpu.memory_space<semaphore_mem>>) src(%dma_wait3A_170 : memref<80x16xf32, #tpu.memory_space<hbm>>) dst(%arg11 : memref<80x16xf32, #tpu.memory_space<vmem>>)
    %dma_start3A_171 = arith.constant 0 : i32
    %dma_start3A_172 = arith.constant 0 : i32
    %dma_start3A_173 = tpu.memref_slice %arg6[%dma_start3A_171, %dma_start3A_172] : memref<10112x16xf32, #tpu.memory_space<vmem_shared>> -> memref<10112x16xf32, #tpu.memory_space<vmem_shared>>
    tpu.enqueue_indirect_dma source(%arg11 : memref<80x16xf32, #tpu.memory_space<vmem>>) target(%dma_start3A_173 : memref<10112x16xf32, #tpu.memory_space<vmem_shared>>) offsets(%arg8 : memref<80xi32, #tpu.memory_space<vmem>>) semaphore(%arg17 : memref<!tpu.dma_semaphore, #tpu.memory_space<semaphore_mem>>) {add = true}
    %dma_wait3A_174 = arith.constant 0 : i32
    %dma_wait3A_175 = arith.constant 0 : i32
    %dma_wait3A_176 = tpu.memref_slice %arg6[%dma_wait3A_174, %dma_wait3A_175] : memref<10112x16xf32, #tpu.memory_space<vmem_shared>> -> memref<10112x16xf32, #tpu.memory_space<vmem_shared>>
    tpu.wait_indirect_dma semaphore(%arg16 : memref<!tpu.dma_semaphore, #tpu.memory_space<semaphore_mem>>) src(%arg10 : memref<80x16xf32, #tpu.memory_space<vmem>>) dst(%dma_wait3A_176 : memref<10112x16xf32, #tpu.memory_space<vmem_shared>>)
    %dma_wait3A_177 = arith.constant 0 : i32
    %dma_wait3A_178 = arith.constant 0 : i32
    %dma_wait3A_179 = tpu.memref_slice %arg6[%dma_wait3A_177, %dma_wait3A_178] : memref<10112x16xf32, #tpu.memory_space<vmem_shared>> -> memref<10112x16xf32, #tpu.memory_space<vmem_shared>>
    tpu.wait_indirect_dma semaphore(%arg17 : memref<!tpu.dma_semaphore, #tpu.memory_space<semaphore_mem>>) src(%arg11 : memref<80x16xf32, #tpu.memory_space<vmem>>) dst(%dma_wait3A_179 : memref<10112x16xf32, #tpu.memory_space<vmem_shared>>)
    %dma_wait3A_180 = arith.constant 0 : i32
    %dma_wait3A_181 = arith.constant 0 : i32
    %dma_wait3A_182 = tpu.memref_slice %arg6[%dma_wait3A_180, %dma_wait3A_181] : memref<10112x16xf32, #tpu.memory_space<vmem_shared>> -> memref<10112x16xf32, #tpu.memory_space<vmem_shared>>
    tpu.wait_indirect_dma semaphore(%arg18 : memref<!tpu.dma_semaphore, #tpu.memory_space<semaphore_mem>>) src(%arg12 : memref<80x16xf32, #tpu.memory_space<vmem>>) dst(%dma_wait3A_182 : memref<10112x16xf32, #tpu.memory_space<vmem_shared>>)
    %barrier3A_183 = arith.constant 0 : index
    tpu.barrier barrier_id(%barrier3A_183)
    %mul3A_184 = arith.constant 632 : i32
    %mul3A_185 = arith.muli %arg1, %mul3A_184 : i32
    "tpu.region"() ({
      %run_scoped3A = tpu.sem_alloc : memref<!tpu.dma_semaphore, #tpu.memory_space<semaphore_mem>>
      %dma_start3A_186 = arith.constant 0 : i32
      %dma_start3A_187 = tpu.memref_slice %arg5[%arg0, %mul3A_185, %dma_start3A_186] : memref<2x10112x16xf32, #tpu.memory_space<hbm>> -> memref<1x632x16xf32, #tpu.memory_space<hbm>>
      %dma_start3A_188 = tpu.memref_squeeze %dma_start3A_187 : memref<1x632x16xf32, #tpu.memory_space<hbm>> -> memref<632x16xf32, #tpu.memory_space<hbm>>
      %dma_start3A_189 = arith.constant 0 : i32
      %dma_start3A_190 = tpu.memref_slice %arg6[%mul3A_185, %dma_start3A_189] : memref<10112x16xf32, #tpu.memory_space<vmem_shared>> -> memref<632x16xf32, #tpu.memory_space<vmem_shared>>
      tpu.enqueue_dma source(%dma_start3A_190 : memref<632x16xf32, #tpu.memory_space<vmem_shared>>) target(%dma_start3A_188 : memref<632x16xf32, #tpu.memory_space<hbm>>) target_semaphore(%run_scoped3A : memref<!tpu.dma_semaphore, #tpu.memory_space<semaphore_mem>>)
      %dma_wait3A_191 = arith.constant 0 : i32
      %dma_wait3A_192 = tpu.memref_slice %arg5[%arg0, %mul3A_185, %dma_wait3A_191] : memref<2x10112x16xf32, #tpu.memory_space<hbm>> -> memref<1x632x16xf32, #tpu.memory_space<hbm>>
      %dma_wait3A_193 = tpu.memref_squeeze %dma_wait3A_192 : memref<1x632x16xf32, #tpu.memory_space<hbm>> -> memref<632x16xf32, #tpu.memory_space<hbm>>
      %dma_wait3A_194 = arith.constant 0 : i32
      %dma_wait3A_195 = tpu.memref_slice %arg6[%mul3A_185, %dma_wait3A_194] : memref<10112x16xf32, #tpu.memory_space<vmem_shared>> -> memref<632x16xf32, #tpu.memory_space<vmem_shared>>
      tpu.wait_dma2 semaphore(%run_scoped3A : memref<!tpu.dma_semaphore, #tpu.memory_space<semaphore_mem>>) src(%dma_wait3A_195 : memref<632x16xf32, #tpu.memory_space<vmem_shared>>) dst(%dma_wait3A_193 : memref<632x16xf32, #tpu.memory_space<hbm>>)
      tpu.yield
    }) : () -> ()
    return
  }
}

#map = affine_map<(d0, d1) -> (0, 0)>
#map1 = affine_map<(d0, d1) -> (0)>
#map2 = affine_map<(d0, d1) -> (0, 0, 0)>
module attributes {stable_mosaic.version = 14 : i64} {
  func.func @sc_kernel(%arg0: i32, %arg1: i32, %arg2: memref<10000x128xf32, #tpu.memory_space<hbm>>, %arg3: memref<640000xi32, #tpu.memory_space<hbm>>, %arg4: memref<632x128xf32, #tpu.memory_space<hbm>>, %arg5: memref<2x10112x128xf32, #tpu.memory_space<hbm>>, %arg6: memref<10112x128xf32, #tpu.memory_space<vmem_shared>>, %arg7: memref<80xi32, #tpu.memory_space<vmem>>, %arg8: memref<80xi32, #tpu.memory_space<vmem>>, %arg9: memref<80xi32, #tpu.memory_space<vmem>>, %arg10: memref<80xi32, #tpu.memory_space<vmem>>, %arg11: memref<80xi32, #tpu.memory_space<vmem>>, %arg12: memref<80xi32, #tpu.memory_space<vmem>>, %arg13: memref<80x128xf32, #tpu.memory_space<vmem>>, %arg14: memref<80x128xf32, #tpu.memory_space<vmem>>, %arg15: memref<!tpu.dma_semaphore, #tpu.memory_space<semaphore_mem>>, %arg16: memref<!tpu.dma_semaphore, #tpu.memory_space<semaphore_mem>>, %arg17: memref<!tpu.dma_semaphore, #tpu.memory_space<semaphore_mem>>, %arg18: memref<!tpu.dma_semaphore, #tpu.memory_space<semaphore_mem>>, %arg19: memref<!tpu.dma_semaphore, #tpu.memory_space<semaphore_mem>>, %arg20: memref<!tpu.dma_semaphore, #tpu.memory_space<semaphore_mem>>, %arg21: memref<!tpu.dma_semaphore, #tpu.memory_space<semaphore_mem>>) attributes {dimension_semantics = [#tpu.dimension_semantics<core_parallel>, #tpu.dimension_semantics<subcore_parallel>], iteration_bounds = array<i64: 2, 16>, scalar_prefetch = 0 : i64, scratch_operands = 16 : i64, tpu.core_type = #tpu.core_type<sc_vector_subcore>, window_params = [{transform_indices = #map}, {transform_indices = #map1}, {transform_indices = #map}, {transform_indices = #map2}]} {
    %mul3A = arith.constant 2 : i32
    %mul3A_0 = arith.muli %arg1, %mul3A : i32
    %add3A = arith.addi %mul3A_0, %arg0 : i32
    %mul3A_1 = arith.constant 632 : i32
    %mul3A_2 = arith.muli %arg1, %mul3A_1 : i32
    "tpu.region"() ({
      %run_scoped3A = tpu.sem_alloc : memref<!tpu.dma_semaphore, #tpu.memory_space<semaphore_mem>>
      %dma_start3A_161 = arith.constant 0 : i32
      %dma_start3A_162 = tpu.memref_slice %arg6[%mul3A_2, %dma_start3A_161] : memref<10112x128xf32, #tpu.memory_space<vmem_shared>> -> memref<632x128xf32, #tpu.memory_space<vmem_shared>>
      tpu.enqueue_dma source(%arg4 : memref<632x128xf32, #tpu.memory_space<hbm>>) target(%dma_start3A_162 : memref<632x128xf32, #tpu.memory_space<vmem_shared>>) target_semaphore(%run_scoped3A : memref<!tpu.dma_semaphore, #tpu.memory_space<semaphore_mem>>)
      %dma_wait3A_163 = arith.constant 0 : i32
      %dma_wait3A_164 = tpu.memref_slice %arg6[%mul3A_2, %dma_wait3A_163] : memref<10112x128xf32, #tpu.memory_space<vmem_shared>> -> memref<632x128xf32, #tpu.memory_space<vmem_shared>>
      tpu.wait_dma2 semaphore(%run_scoped3A : memref<!tpu.dma_semaphore, #tpu.memory_space<semaphore_mem>>) src(%arg4 : memref<632x128xf32, #tpu.memory_space<hbm>>) dst(%dma_wait3A_164 : memref<632x128xf32, #tpu.memory_space<vmem_shared>>)
      tpu.yield
    }) : () -> ()
    %barrier3A = arith.constant 0 : index
    tpu.barrier barrier_id(%barrier3A)
    %mul3A_3 = arith.constant 125 : i32
    %mul3A_4 = arith.muli %add3A, %mul3A_3 : i32
    %add3A_5 = arith.constant 0 : i32
    %add3A_6 = arith.addi %mul3A_4, %add3A_5 : i32
    %mul3A_7 = arith.constant 80 : i32
    %mul3A_8 = arith.muli %add3A_6, %mul3A_7 : i32
    %dma_start3A = tpu.memref_slice %arg3[%mul3A_8] : memref<640000xi32, #tpu.memory_space<hbm>> -> memref<80xi32, #tpu.memory_space<hbm>>
    %dma_start3A_9 = tpu.memref_slice %arg3[%mul3A_8] : memref<640000xi32, #tpu.memory_space<hbm>> -> memref<80xi32, #tpu.memory_space<hbm>>
    tpu.enqueue_dma source(%dma_start3A_9 : memref<80xi32, #tpu.memory_space<hbm>>) target(%arg7 : memref<80xi32, #tpu.memory_space<vmem>>) target_semaphore(%arg15 : memref<!tpu.dma_semaphore, #tpu.memory_space<semaphore_mem>>)
    %add3A_10 = arith.constant 320000 : i32
    %add3A_11 = arith.addi %add3A_10, %mul3A_8 : i32
    %dma_start3A_12 = tpu.memref_slice %arg3[%add3A_11] : memref<640000xi32, #tpu.memory_space<hbm>> -> memref<80xi32, #tpu.memory_space<hbm>>
    %dma_start3A_13 = tpu.memref_slice %arg3[%add3A_11] : memref<640000xi32, #tpu.memory_space<hbm>> -> memref<80xi32, #tpu.memory_space<hbm>>
    tpu.enqueue_dma source(%dma_start3A_13 : memref<80xi32, #tpu.memory_space<hbm>>) target(%arg10 : memref<80xi32, #tpu.memory_space<vmem>>) target_semaphore(%arg15 : memref<!tpu.dma_semaphore, #tpu.memory_space<semaphore_mem>>)
    %add3A_14 = arith.constant 1 : i32
    %add3A_15 = arith.addi %mul3A_4, %add3A_14 : i32
    %mul3A_16 = arith.constant 80 : i32
    %mul3A_17 = arith.muli %add3A_15, %mul3A_16 : i32
    %dma_start3A_18 = tpu.memref_slice %arg3[%mul3A_17] : memref<640000xi32, #tpu.memory_space<hbm>> -> memref<80xi32, #tpu.memory_space<hbm>>
    %dma_start3A_19 = tpu.memref_slice %arg3[%mul3A_17] : memref<640000xi32, #tpu.memory_space<hbm>> -> memref<80xi32, #tpu.memory_space<hbm>>
    tpu.enqueue_dma source(%dma_start3A_19 : memref<80xi32, #tpu.memory_space<hbm>>) target(%arg8 : memref<80xi32, #tpu.memory_space<vmem>>) target_semaphore(%arg16 : memref<!tpu.dma_semaphore, #tpu.memory_space<semaphore_mem>>)
    %add3A_20 = arith.constant 320000 : i32
    %add3A_21 = arith.addi %add3A_20, %mul3A_17 : i32
    %dma_start3A_22 = tpu.memref_slice %arg3[%add3A_21] : memref<640000xi32, #tpu.memory_space<hbm>> -> memref<80xi32, #tpu.memory_space<hbm>>
    %dma_start3A_23 = tpu.memref_slice %arg3[%add3A_21] : memref<640000xi32, #tpu.memory_space<hbm>> -> memref<80xi32, #tpu.memory_space<hbm>>
    tpu.enqueue_dma source(%dma_start3A_23 : memref<80xi32, #tpu.memory_space<hbm>>) target(%arg11 : memref<80xi32, #tpu.memory_space<vmem>>) target_semaphore(%arg16 : memref<!tpu.dma_semaphore, #tpu.memory_space<semaphore_mem>>)
    %dma_wait3A = arith.constant 0 : i32
    %dma_wait3A_24 = tpu.memref_slice %arg3[%dma_wait3A] : memref<640000xi32, #tpu.memory_space<hbm>> -> memref<80xi32, #tpu.memory_space<hbm>>
    %dma_wait3A_25 = arith.constant 0 : i32
    %dma_wait3A_26 = tpu.memref_slice %arg3[%dma_wait3A_25] : memref<640000xi32, #tpu.memory_space<hbm>> -> memref<80xi32, #tpu.memory_space<hbm>>
    tpu.wait_dma2 semaphore(%arg15 : memref<!tpu.dma_semaphore, #tpu.memory_space<semaphore_mem>>) src(%dma_wait3A_26 : memref<80xi32, #tpu.memory_space<hbm>>) dst(%arg7 : memref<80xi32, #tpu.memory_space<vmem>>)
    %dma_wait3A_27 = arith.constant 0 : i32
    %dma_wait3A_28 = tpu.memref_slice %arg3[%dma_wait3A_27] : memref<640000xi32, #tpu.memory_space<hbm>> -> memref<80xi32, #tpu.memory_space<hbm>>
    %dma_wait3A_29 = arith.constant 0 : i32
    %dma_wait3A_30 = tpu.memref_slice %arg3[%dma_wait3A_29] : memref<640000xi32, #tpu.memory_space<hbm>> -> memref<80xi32, #tpu.memory_space<hbm>>
    tpu.wait_dma2 semaphore(%arg15 : memref<!tpu.dma_semaphore, #tpu.memory_space<semaphore_mem>>) src(%dma_wait3A_30 : memref<80xi32, #tpu.memory_space<hbm>>) dst(%arg10 : memref<80xi32, #tpu.memory_space<vmem>>)
    %dma_start3A_31 = arith.constant 0 : i32
    %dma_start3A_32 = arith.constant 0 : i32
    %dma_start3A_33 = tpu.memref_slice %arg2[%dma_start3A_31, %dma_start3A_32] : memref<10000x128xf32, #tpu.memory_space<hbm>> -> memref<10000x128xf32, #tpu.memory_space<hbm>>
    tpu.enqueue_indirect_dma source(%dma_start3A_33 : memref<10000x128xf32, #tpu.memory_space<hbm>>) target(%arg13 : memref<80x128xf32, #tpu.memory_space<vmem>>) offsets(%arg10 : memref<80xi32, #tpu.memory_space<vmem>>) semaphore(%arg18 : memref<!tpu.dma_semaphore, #tpu.memory_space<semaphore_mem>>)
    %dma_wait3A_34 = arith.constant 0 : i32
    %dma_wait3A_35 = tpu.memref_slice %arg3[%dma_wait3A_34] : memref<640000xi32, #tpu.memory_space<hbm>> -> memref<80xi32, #tpu.memory_space<hbm>>
    %dma_wait3A_36 = arith.constant 0 : i32
    %dma_wait3A_37 = tpu.memref_slice %arg3[%dma_wait3A_36] : memref<640000xi32, #tpu.memory_space<hbm>> -> memref<80xi32, #tpu.memory_space<hbm>>
    tpu.wait_dma2 semaphore(%arg16 : memref<!tpu.dma_semaphore, #tpu.memory_space<semaphore_mem>>) src(%dma_wait3A_37 : memref<80xi32, #tpu.memory_space<hbm>>) dst(%arg8 : memref<80xi32, #tpu.memory_space<vmem>>)
    %dma_wait3A_38 = arith.constant 0 : i32
    %dma_wait3A_39 = tpu.memref_slice %arg3[%dma_wait3A_38] : memref<640000xi32, #tpu.memory_space<hbm>> -> memref<80xi32, #tpu.memory_space<hbm>>
    %dma_wait3A_40 = arith.constant 0 : i32
    %dma_wait3A_41 = tpu.memref_slice %arg3[%dma_wait3A_40] : memref<640000xi32, #tpu.memory_space<hbm>> -> memref<80xi32, #tpu.memory_space<hbm>>
    tpu.wait_dma2 semaphore(%arg16 : memref<!tpu.dma_semaphore, #tpu.memory_space<semaphore_mem>>) src(%dma_wait3A_41 : memref<80xi32, #tpu.memory_space<hbm>>) dst(%arg11 : memref<80xi32, #tpu.memory_space<vmem>>)
    %dma_start3A_42 = arith.constant 0 : i32
    %dma_start3A_43 = arith.constant 0 : i32
    %dma_start3A_44 = tpu.memref_slice %arg2[%dma_start3A_42, %dma_start3A_43] : memref<10000x128xf32, #tpu.memory_space<hbm>> -> memref<10000x128xf32, #tpu.memory_space<hbm>>
    tpu.enqueue_indirect_dma source(%dma_start3A_44 : memref<10000x128xf32, #tpu.memory_space<hbm>>) target(%arg14 : memref<80x128xf32, #tpu.memory_space<vmem>>) offsets(%arg11 : memref<80xi32, #tpu.memory_space<vmem>>) semaphore(%arg19 : memref<!tpu.dma_semaphore, #tpu.memory_space<semaphore_mem>>)
    %add3A_45 = arith.constant 2 : i32
    %add3A_46 = arith.addi %mul3A_4, %add3A_45 : i32
    %mul3A_47 = arith.constant 80 : i32
    %mul3A_48 = arith.muli %add3A_46, %mul3A_47 : i32
    %dma_start3A_49 = tpu.memref_slice %arg3[%mul3A_48] : memref<640000xi32, #tpu.memory_space<hbm>> -> memref<80xi32, #tpu.memory_space<hbm>>
    %dma_start3A_50 = tpu.memref_slice %arg3[%mul3A_48] : memref<640000xi32, #tpu.memory_space<hbm>> -> memref<80xi32, #tpu.memory_space<hbm>>
    tpu.enqueue_dma source(%dma_start3A_50 : memref<80xi32, #tpu.memory_space<hbm>>) target(%arg9 : memref<80xi32, #tpu.memory_space<vmem>>) target_semaphore(%arg17 : memref<!tpu.dma_semaphore, #tpu.memory_space<semaphore_mem>>)
    %add3A_51 = arith.constant 320000 : i32
    %add3A_52 = arith.addi %add3A_51, %mul3A_48 : i32
    %dma_start3A_53 = tpu.memref_slice %arg3[%add3A_52] : memref<640000xi32, #tpu.memory_space<hbm>> -> memref<80xi32, #tpu.memory_space<hbm>>
    %dma_start3A_54 = tpu.memref_slice %arg3[%add3A_52] : memref<640000xi32, #tpu.memory_space<hbm>> -> memref<80xi32, #tpu.memory_space<hbm>>
    tpu.enqueue_dma source(%dma_start3A_54 : memref<80xi32, #tpu.memory_space<hbm>>) target(%arg12 : memref<80xi32, #tpu.memory_space<vmem>>) target_semaphore(%arg17 : memref<!tpu.dma_semaphore, #tpu.memory_space<semaphore_mem>>)
    %dma_wait3A_55 = arith.constant 0 : i32
    %dma_wait3A_56 = arith.constant 0 : i32
    %dma_wait3A_57 = tpu.memref_slice %arg2[%dma_wait3A_55, %dma_wait3A_56] : memref<10000x128xf32, #tpu.memory_space<hbm>> -> memref<10000x128xf32, #tpu.memory_space<hbm>>
    tpu.wait_indirect_dma semaphore(%arg18 : memref<!tpu.dma_semaphore, #tpu.memory_space<semaphore_mem>>) src(%dma_wait3A_57 : memref<10000x128xf32, #tpu.memory_space<hbm>>) dst(%arg13 : memref<80x128xf32, #tpu.memory_space<vmem>>)
    %dma_start3A_58 = arith.constant 0 : i32
    %dma_start3A_59 = arith.constant 0 : i32
    %dma_start3A_60 = tpu.memref_slice %arg6[%dma_start3A_58, %dma_start3A_59] : memref<10112x128xf32, #tpu.memory_space<vmem_shared>> -> memref<10112x128xf32, #tpu.memory_space<vmem_shared>>
    tpu.enqueue_indirect_dma source(%arg13 : memref<80x128xf32, #tpu.memory_space<vmem>>) target(%dma_start3A_60 : memref<10112x128xf32, #tpu.memory_space<vmem_shared>>) offsets(%arg7 : memref<80xi32, #tpu.memory_space<vmem>>) semaphore(%arg20 : memref<!tpu.dma_semaphore, #tpu.memory_space<semaphore_mem>>) {add = true}
    %dma_wait3A_61 = arith.constant 0 : i32
    %dma_wait3A_62 = tpu.memref_slice %arg3[%dma_wait3A_61] : memref<640000xi32, #tpu.memory_space<hbm>> -> memref<80xi32, #tpu.memory_space<hbm>>
    %dma_wait3A_63 = arith.constant 0 : i32
    %dma_wait3A_64 = tpu.memref_slice %arg3[%dma_wait3A_63] : memref<640000xi32, #tpu.memory_space<hbm>> -> memref<80xi32, #tpu.memory_space<hbm>>
    tpu.wait_dma2 semaphore(%arg17 : memref<!tpu.dma_semaphore, #tpu.memory_space<semaphore_mem>>) src(%dma_wait3A_64 : memref<80xi32, #tpu.memory_space<hbm>>) dst(%arg9 : memref<80xi32, #tpu.memory_space<vmem>>)
    %dma_wait3A_65 = arith.constant 0 : i32
    %dma_wait3A_66 = tpu.memref_slice %arg3[%dma_wait3A_65] : memref<640000xi32, #tpu.memory_space<hbm>> -> memref<80xi32, #tpu.memory_space<hbm>>
    %dma_wait3A_67 = arith.constant 0 : i32
    %dma_wait3A_68 = tpu.memref_slice %arg3[%dma_wait3A_67] : memref<640000xi32, #tpu.memory_space<hbm>> -> memref<80xi32, #tpu.memory_space<hbm>>
    tpu.wait_dma2 semaphore(%arg17 : memref<!tpu.dma_semaphore, #tpu.memory_space<semaphore_mem>>) src(%dma_wait3A_68 : memref<80xi32, #tpu.memory_space<hbm>>) dst(%arg12 : memref<80xi32, #tpu.memory_space<vmem>>)
    %dma_wait3A_69 = arith.constant 0 : i32
    %dma_wait3A_70 = arith.constant 0 : i32
    %dma_wait3A_71 = tpu.memref_slice %arg6[%dma_wait3A_69, %dma_wait3A_70] : memref<10112x128xf32, #tpu.memory_space<vmem_shared>> -> memref<10112x128xf32, #tpu.memory_space<vmem_shared>>
    tpu.wait_indirect_dma semaphore(%arg20 : memref<!tpu.dma_semaphore, #tpu.memory_space<semaphore_mem>>) src(%arg13 : memref<80x128xf32, #tpu.memory_space<vmem>>) dst(%dma_wait3A_71 : memref<10112x128xf32, #tpu.memory_space<vmem_shared>>)
    %dma_start3A_72 = arith.constant 0 : i32
    %dma_start3A_73 = arith.constant 0 : i32
    %dma_start3A_74 = tpu.memref_slice %arg2[%dma_start3A_72, %dma_start3A_73] : memref<10000x128xf32, #tpu.memory_space<hbm>> -> memref<10000x128xf32, #tpu.memory_space<hbm>>
    tpu.enqueue_indirect_dma source(%dma_start3A_74 : memref<10000x128xf32, #tpu.memory_space<hbm>>) target(%arg13 : memref<80x128xf32, #tpu.memory_space<vmem>>) offsets(%arg12 : memref<80xi32, #tpu.memory_space<vmem>>) semaphore(%arg18 : memref<!tpu.dma_semaphore, #tpu.memory_space<semaphore_mem>>)
    %add3A_75 = arith.constant 3 : i32
    %add3A_76 = arith.addi %mul3A_4, %add3A_75 : i32
    %mul3A_77 = arith.constant 80 : i32
    %mul3A_78 = arith.muli %add3A_76, %mul3A_77 : i32
    %dma_start3A_79 = tpu.memref_slice %arg3[%mul3A_78] : memref<640000xi32, #tpu.memory_space<hbm>> -> memref<80xi32, #tpu.memory_space<hbm>>
    %dma_start3A_80 = tpu.memref_slice %arg3[%mul3A_78] : memref<640000xi32, #tpu.memory_space<hbm>> -> memref<80xi32, #tpu.memory_space<hbm>>
    tpu.enqueue_dma source(%dma_start3A_80 : memref<80xi32, #tpu.memory_space<hbm>>) target(%arg7 : memref<80xi32, #tpu.memory_space<vmem>>) target_semaphore(%arg15 : memref<!tpu.dma_semaphore, #tpu.memory_space<semaphore_mem>>)
    %add3A_81 = arith.constant 320000 : i32
    %add3A_82 = arith.addi %add3A_81, %mul3A_78 : i32
    %dma_start3A_83 = tpu.memref_slice %arg3[%add3A_82] : memref<640000xi32, #tpu.memory_space<hbm>> -> memref<80xi32, #tpu.memory_space<hbm>>
    %dma_start3A_84 = tpu.memref_slice %arg3[%add3A_82] : memref<640000xi32, #tpu.memory_space<hbm>> -> memref<80xi32, #tpu.memory_space<hbm>>
    tpu.enqueue_dma source(%dma_start3A_84 : memref<80xi32, #tpu.memory_space<hbm>>) target(%arg10 : memref<80xi32, #tpu.memory_space<vmem>>) target_semaphore(%arg15 : memref<!tpu.dma_semaphore, #tpu.memory_space<semaphore_mem>>)
    %dma_wait3A_85 = arith.constant 0 : i32
    %dma_wait3A_86 = arith.constant 0 : i32
    %dma_wait3A_87 = tpu.memref_slice %arg2[%dma_wait3A_85, %dma_wait3A_86] : memref<10000x128xf32, #tpu.memory_space<hbm>> -> memref<10000x128xf32, #tpu.memory_space<hbm>>
    tpu.wait_indirect_dma semaphore(%arg19 : memref<!tpu.dma_semaphore, #tpu.memory_space<semaphore_mem>>) src(%dma_wait3A_87 : memref<10000x128xf32, #tpu.memory_space<hbm>>) dst(%arg14 : memref<80x128xf32, #tpu.memory_space<vmem>>)
    %dma_start3A_88 = arith.constant 0 : i32
    %dma_start3A_89 = arith.constant 0 : i32
    %dma_start3A_90 = tpu.memref_slice %arg6[%dma_start3A_88, %dma_start3A_89] : memref<10112x128xf32, #tpu.memory_space<vmem_shared>> -> memref<10112x128xf32, #tpu.memory_space<vmem_shared>>
    tpu.enqueue_indirect_dma source(%arg14 : memref<80x128xf32, #tpu.memory_space<vmem>>) target(%dma_start3A_90 : memref<10112x128xf32, #tpu.memory_space<vmem_shared>>) offsets(%arg8 : memref<80xi32, #tpu.memory_space<vmem>>) semaphore(%arg21 : memref<!tpu.dma_semaphore, #tpu.memory_space<semaphore_mem>>) {add = true}
    %scan3A = arith.constant 0 : i32
    %scan3A_91 = arith.constant 0 : i32
    %scan3A_92 = arith.constant 20 : i32
    %scan3A_93 = arith.addi %scan3A_91, %scan3A_92 : i32
    %scan3A_94 = arith.constant 1 : i32
    scf.for %scan3A_161 = %scan3A_91 to %scan3A_93 step %scan3A_94  : i32 {
      %mul3A_162 = arith.constant 6 : i32
      %mul3A_163 = arith.muli %mul3A_162, %scan3A_161 : i32
      %add3A_164 = arith.constant 2 : i32
      %add3A_165 = arith.addi %add3A_164, %mul3A_163 : i32
      %add3A_166 = arith.constant 0 : i32
      %add3A_167 = arith.addi %add3A_165, %add3A_166 : i32
      %dma_wait3A_168 = arith.constant 0 : i32
      %dma_wait3A_169 = tpu.memref_slice %arg3[%dma_wait3A_168] : memref<640000xi32, #tpu.memory_space<hbm>> -> memref<80xi32, #tpu.memory_space<hbm>>
      %dma_wait3A_170 = arith.constant 0 : i32
      %dma_wait3A_171 = tpu.memref_slice %arg3[%dma_wait3A_170] : memref<640000xi32, #tpu.memory_space<hbm>> -> memref<80xi32, #tpu.memory_space<hbm>>
      tpu.wait_dma2 semaphore(%arg15 : memref<!tpu.dma_semaphore, #tpu.memory_space<semaphore_mem>>) src(%dma_wait3A_171 : memref<80xi32, #tpu.memory_space<hbm>>) dst(%arg7 : memref<80xi32, #tpu.memory_space<vmem>>)
      %dma_wait3A_172 = arith.constant 0 : i32
      %dma_wait3A_173 = tpu.memref_slice %arg3[%dma_wait3A_172] : memref<640000xi32, #tpu.memory_space<hbm>> -> memref<80xi32, #tpu.memory_space<hbm>>
      %dma_wait3A_174 = arith.constant 0 : i32
      %dma_wait3A_175 = tpu.memref_slice %arg3[%dma_wait3A_174] : memref<640000xi32, #tpu.memory_space<hbm>> -> memref<80xi32, #tpu.memory_space<hbm>>
      tpu.wait_dma2 semaphore(%arg15 : memref<!tpu.dma_semaphore, #tpu.memory_space<semaphore_mem>>) src(%dma_wait3A_175 : memref<80xi32, #tpu.memory_space<hbm>>) dst(%arg10 : memref<80xi32, #tpu.memory_space<vmem>>)
      %dma_wait3A_176 = arith.constant 0 : i32
      %dma_wait3A_177 = arith.constant 0 : i32
      %dma_wait3A_178 = tpu.memref_slice %arg6[%dma_wait3A_176, %dma_wait3A_177] : memref<10112x128xf32, #tpu.memory_space<vmem_shared>> -> memref<10112x128xf32, #tpu.memory_space<vmem_shared>>
      tpu.wait_indirect_dma semaphore(%arg21 : memref<!tpu.dma_semaphore, #tpu.memory_space<semaphore_mem>>) src(%arg14 : memref<80x128xf32, #tpu.memory_space<vmem>>) dst(%dma_wait3A_178 : memref<10112x128xf32, #tpu.memory_space<vmem_shared>>)
      %dma_start3A_179 = arith.constant 0 : i32
      %dma_start3A_180 = arith.constant 0 : i32
      %dma_start3A_181 = tpu.memref_slice %arg2[%dma_start3A_179, %dma_start3A_180] : memref<10000x128xf32, #tpu.memory_space<hbm>> -> memref<10000x128xf32, #tpu.memory_space<hbm>>
      tpu.enqueue_indirect_dma source(%dma_start3A_181 : memref<10000x128xf32, #tpu.memory_space<hbm>>) target(%arg14 : memref<80x128xf32, #tpu.memory_space<vmem>>) offsets(%arg10 : memref<80xi32, #tpu.memory_space<vmem>>) semaphore(%arg19 : memref<!tpu.dma_semaphore, #tpu.memory_space<semaphore_mem>>)
      %add3A_182 = arith.constant 2 : i32
      %add3A_183 = arith.addi %add3A_167, %add3A_182 : i32
      %add3A_184 = arith.addi %mul3A_4, %add3A_183 : i32
      %mul3A_185 = arith.constant 80 : i32
      %mul3A_186 = arith.muli %add3A_184, %mul3A_185 : i32
      %dma_start3A_187 = tpu.memref_slice %arg3[%mul3A_186] : memref<640000xi32, #tpu.memory_space<hbm>> -> memref<80xi32, #tpu.memory_space<hbm>>
      %dma_start3A_188 = tpu.memref_slice %arg3[%mul3A_186] : memref<640000xi32, #tpu.memory_space<hbm>> -> memref<80xi32, #tpu.memory_space<hbm>>
      tpu.enqueue_dma source(%dma_start3A_188 : memref<80xi32, #tpu.memory_space<hbm>>) target(%arg8 : memref<80xi32, #tpu.memory_space<vmem>>) target_semaphore(%arg16 : memref<!tpu.dma_semaphore, #tpu.memory_space<semaphore_mem>>)
      %add3A_189 = arith.constant 320000 : i32
      %add3A_190 = arith.addi %add3A_189, %mul3A_186 : i32
      %dma_start3A_191 = tpu.memref_slice %arg3[%add3A_190] : memref<640000xi32, #tpu.memory_space<hbm>> -> memref<80xi32, #tpu.memory_space<hbm>>
      %dma_start3A_192 = tpu.memref_slice %arg3[%add3A_190] : memref<640000xi32, #tpu.memory_space<hbm>> -> memref<80xi32, #tpu.memory_space<hbm>>
      tpu.enqueue_dma source(%dma_start3A_192 : memref<80xi32, #tpu.memory_space<hbm>>) target(%arg11 : memref<80xi32, #tpu.memory_space<vmem>>) target_semaphore(%arg16 : memref<!tpu.dma_semaphore, #tpu.memory_space<semaphore_mem>>)
      %dma_wait3A_193 = arith.constant 0 : i32
      %dma_wait3A_194 = arith.constant 0 : i32
      %dma_wait3A_195 = tpu.memref_slice %arg2[%dma_wait3A_193, %dma_wait3A_194] : memref<10000x128xf32, #tpu.memory_space<hbm>> -> memref<10000x128xf32, #tpu.memory_space<hbm>>
      tpu.wait_indirect_dma semaphore(%arg18 : memref<!tpu.dma_semaphore, #tpu.memory_space<semaphore_mem>>) src(%dma_wait3A_195 : memref<10000x128xf32, #tpu.memory_space<hbm>>) dst(%arg13 : memref<80x128xf32, #tpu.memory_space<vmem>>)
      %dma_start3A_196 = arith.constant 0 : i32
      %dma_start3A_197 = arith.constant 0 : i32
      %dma_start3A_198 = tpu.memref_slice %arg6[%dma_start3A_196, %dma_start3A_197] : memref<10112x128xf32, #tpu.memory_space<vmem_shared>> -> memref<10112x128xf32, #tpu.memory_space<vmem_shared>>
      tpu.enqueue_indirect_dma source(%arg13 : memref<80x128xf32, #tpu.memory_space<vmem>>) target(%dma_start3A_198 : memref<10112x128xf32, #tpu.memory_space<vmem_shared>>) offsets(%arg9 : memref<80xi32, #tpu.memory_space<vmem>>) semaphore(%arg20 : memref<!tpu.dma_semaphore, #tpu.memory_space<semaphore_mem>>) {add = true}
      %add3A_199 = arith.constant 1 : i32
      %add3A_200 = arith.addi %add3A_165, %add3A_199 : i32
      %dma_wait3A_201 = arith.constant 0 : i32
      %dma_wait3A_202 = tpu.memref_slice %arg3[%dma_wait3A_201] : memref<640000xi32, #tpu.memory_space<hbm>> -> memref<80xi32, #tpu.memory_space<hbm>>
      %dma_wait3A_203 = arith.constant 0 : i32
      %dma_wait3A_204 = tpu.memref_slice %arg3[%dma_wait3A_203] : memref<640000xi32, #tpu.memory_space<hbm>> -> memref<80xi32, #tpu.memory_space<hbm>>
      tpu.wait_dma2 semaphore(%arg16 : memref<!tpu.dma_semaphore, #tpu.memory_space<semaphore_mem>>) src(%dma_wait3A_204 : memref<80xi32, #tpu.memory_space<hbm>>) dst(%arg8 : memref<80xi32, #tpu.memory_space<vmem>>)
      %dma_wait3A_205 = arith.constant 0 : i32
      %dma_wait3A_206 = tpu.memref_slice %arg3[%dma_wait3A_205] : memref<640000xi32, #tpu.memory_space<hbm>> -> memref<80xi32, #tpu.memory_space<hbm>>
      %dma_wait3A_207 = arith.constant 0 : i32
      %dma_wait3A_208 = tpu.memref_slice %arg3[%dma_wait3A_207] : memref<640000xi32, #tpu.memory_space<hbm>> -> memref<80xi32, #tpu.memory_space<hbm>>
      tpu.wait_dma2 semaphore(%arg16 : memref<!tpu.dma_semaphore, #tpu.memory_space<semaphore_mem>>) src(%dma_wait3A_208 : memref<80xi32, #tpu.memory_space<hbm>>) dst(%arg11 : memref<80xi32, #tpu.memory_space<vmem>>)
      %dma_wait3A_209 = arith.constant 0 : i32
      %dma_wait3A_210 = arith.constant 0 : i32
      %dma_wait3A_211 = tpu.memref_slice %arg6[%dma_wait3A_209, %dma_wait3A_210] : memref<10112x128xf32, #tpu.memory_space<vmem_shared>> -> memref<10112x128xf32, #tpu.memory_space<vmem_shared>>
      tpu.wait_indirect_dma semaphore(%arg20 : memref<!tpu.dma_semaphore, #tpu.memory_space<semaphore_mem>>) src(%arg13 : memref<80x128xf32, #tpu.memory_space<vmem>>) dst(%dma_wait3A_211 : memref<10112x128xf32, #tpu.memory_space<vmem_shared>>)
      %dma_start3A_212 = arith.constant 0 : i32
      %dma_start3A_213 = arith.constant 0 : i32
      %dma_start3A_214 = tpu.memref_slice %arg2[%dma_start3A_212, %dma_start3A_213] : memref<10000x128xf32, #tpu.memory_space<hbm>> -> memref<10000x128xf32, #tpu.memory_space<hbm>>
      tpu.enqueue_indirect_dma source(%dma_start3A_214 : memref<10000x128xf32, #tpu.memory_space<hbm>>) target(%arg13 : memref<80x128xf32, #tpu.memory_space<vmem>>) offsets(%arg11 : memref<80xi32, #tpu.memory_space<vmem>>) semaphore(%arg18 : memref<!tpu.dma_semaphore, #tpu.memory_space<semaphore_mem>>)
      %add3A_215 = arith.constant 2 : i32
      %add3A_216 = arith.addi %add3A_200, %add3A_215 : i32
      %add3A_217 = arith.addi %mul3A_4, %add3A_216 : i32
      %mul3A_218 = arith.constant 80 : i32
      %mul3A_219 = arith.muli %add3A_217, %mul3A_218 : i32
      %dma_start3A_220 = tpu.memref_slice %arg3[%mul3A_219] : memref<640000xi32, #tpu.memory_space<hbm>> -> memref<80xi32, #tpu.memory_space<hbm>>
      %dma_start3A_221 = tpu.memref_slice %arg3[%mul3A_219] : memref<640000xi32, #tpu.memory_space<hbm>> -> memref<80xi32, #tpu.memory_space<hbm>>
      tpu.enqueue_dma source(%dma_start3A_221 : memref<80xi32, #tpu.memory_space<hbm>>) target(%arg9 : memref<80xi32, #tpu.memory_space<vmem>>) target_semaphore(%arg17 : memref<!tpu.dma_semaphore, #tpu.memory_space<semaphore_mem>>)
      %add3A_222 = arith.constant 320000 : i32
      %add3A_223 = arith.addi %add3A_222, %mul3A_219 : i32
      %dma_start3A_224 = tpu.memref_slice %arg3[%add3A_223] : memref<640000xi32, #tpu.memory_space<hbm>> -> memref<80xi32, #tpu.memory_space<hbm>>
      %dma_start3A_225 = tpu.memref_slice %arg3[%add3A_223] : memref<640000xi32, #tpu.memory_space<hbm>> -> memref<80xi32, #tpu.memory_space<hbm>>
      tpu.enqueue_dma source(%dma_start3A_225 : memref<80xi32, #tpu.memory_space<hbm>>) target(%arg12 : memref<80xi32, #tpu.memory_space<vmem>>) target_semaphore(%arg17 : memref<!tpu.dma_semaphore, #tpu.memory_space<semaphore_mem>>)
      %dma_wait3A_226 = arith.constant 0 : i32
      %dma_wait3A_227 = arith.constant 0 : i32
      %dma_wait3A_228 = tpu.memref_slice %arg2[%dma_wait3A_226, %dma_wait3A_227] : memref<10000x128xf32, #tpu.memory_space<hbm>> -> memref<10000x128xf32, #tpu.memory_space<hbm>>
      tpu.wait_indirect_dma semaphore(%arg19 : memref<!tpu.dma_semaphore, #tpu.memory_space<semaphore_mem>>) src(%dma_wait3A_228 : memref<10000x128xf32, #tpu.memory_space<hbm>>) dst(%arg14 : memref<80x128xf32, #tpu.memory_space<vmem>>)
      %dma_start3A_229 = arith.constant 0 : i32
      %dma_start3A_230 = arith.constant 0 : i32
      %dma_start3A_231 = tpu.memref_slice %arg6[%dma_start3A_229, %dma_start3A_230] : memref<10112x128xf32, #tpu.memory_space<vmem_shared>> -> memref<10112x128xf32, #tpu.memory_space<vmem_shared>>
      tpu.enqueue_indirect_dma source(%arg14 : memref<80x128xf32, #tpu.memory_space<vmem>>) target(%dma_start3A_231 : memref<10112x128xf32, #tpu.memory_space<vmem_shared>>) offsets(%arg7 : memref<80xi32, #tpu.memory_space<vmem>>) semaphore(%arg21 : memref<!tpu.dma_semaphore, #tpu.memory_space<semaphore_mem>>) {add = true}
      %add3A_232 = arith.constant 2 : i32
      %add3A_233 = arith.addi %add3A_165, %add3A_232 : i32
      %dma_wait3A_234 = arith.constant 0 : i32
      %dma_wait3A_235 = tpu.memref_slice %arg3[%dma_wait3A_234] : memref<640000xi32, #tpu.memory_space<hbm>> -> memref<80xi32, #tpu.memory_space<hbm>>
      %dma_wait3A_236 = arith.constant 0 : i32
      %dma_wait3A_237 = tpu.memref_slice %arg3[%dma_wait3A_236] : memref<640000xi32, #tpu.memory_space<hbm>> -> memref<80xi32, #tpu.memory_space<hbm>>
      tpu.wait_dma2 semaphore(%arg17 : memref<!tpu.dma_semaphore, #tpu.memory_space<semaphore_mem>>) src(%dma_wait3A_237 : memref<80xi32, #tpu.memory_space<hbm>>) dst(%arg9 : memref<80xi32, #tpu.memory_space<vmem>>)
      %dma_wait3A_238 = arith.constant 0 : i32
      %dma_wait3A_239 = tpu.memref_slice %arg3[%dma_wait3A_238] : memref<640000xi32, #tpu.memory_space<hbm>> -> memref<80xi32, #tpu.memory_space<hbm>>
      %dma_wait3A_240 = arith.constant 0 : i32
      %dma_wait3A_241 = tpu.memref_slice %arg3[%dma_wait3A_240] : memref<640000xi32, #tpu.memory_space<hbm>> -> memref<80xi32, #tpu.memory_space<hbm>>
      tpu.wait_dma2 semaphore(%arg17 : memref<!tpu.dma_semaphore, #tpu.memory_space<semaphore_mem>>) src(%dma_wait3A_241 : memref<80xi32, #tpu.memory_space<hbm>>) dst(%arg12 : memref<80xi32, #tpu.memory_space<vmem>>)
      %dma_wait3A_242 = arith.constant 0 : i32
      %dma_wait3A_243 = arith.constant 0 : i32
      %dma_wait3A_244 = tpu.memref_slice %arg6[%dma_wait3A_242, %dma_wait3A_243] : memref<10112x128xf32, #tpu.memory_space<vmem_shared>> -> memref<10112x128xf32, #tpu.memory_space<vmem_shared>>
      tpu.wait_indirect_dma semaphore(%arg21 : memref<!tpu.dma_semaphore, #tpu.memory_space<semaphore_mem>>) src(%arg14 : memref<80x128xf32, #tpu.memory_space<vmem>>) dst(%dma_wait3A_244 : memref<10112x128xf32, #tpu.memory_space<vmem_shared>>)
      %dma_start3A_245 = arith.constant 0 : i32
      %dma_start3A_246 = arith.constant 0 : i32
      %dma_start3A_247 = tpu.memref_slice %arg2[%dma_start3A_245, %dma_start3A_246] : memref<10000x128xf32, #tpu.memory_space<hbm>> -> memref<10000x128xf32, #tpu.memory_space<hbm>>
      tpu.enqueue_indirect_dma source(%dma_start3A_247 : memref<10000x128xf32, #tpu.memory_space<hbm>>) target(%arg14 : memref<80x128xf32, #tpu.memory_space<vmem>>) offsets(%arg12 : memref<80xi32, #tpu.memory_space<vmem>>) semaphore(%arg19 : memref<!tpu.dma_semaphore, #tpu.memory_space<semaphore_mem>>)
      %add3A_248 = arith.constant 2 : i32
      %add3A_249 = arith.addi %add3A_233, %add3A_248 : i32
      %add3A_250 = arith.addi %mul3A_4, %add3A_249 : i32
      %mul3A_251 = arith.constant 80 : i32
      %mul3A_252 = arith.muli %add3A_250, %mul3A_251 : i32
      %dma_start3A_253 = tpu.memref_slice %arg3[%mul3A_252] : memref<640000xi32, #tpu.memory_space<hbm>> -> memref<80xi32, #tpu.memory_space<hbm>>
      %dma_start3A_254 = tpu.memref_slice %arg3[%mul3A_252] : memref<640000xi32, #tpu.memory_space<hbm>> -> memref<80xi32, #tpu.memory_space<hbm>>
      tpu.enqueue_dma source(%dma_start3A_254 : memref<80xi32, #tpu.memory_space<hbm>>) target(%arg7 : memref<80xi32, #tpu.memory_space<vmem>>) target_semaphore(%arg15 : memref<!tpu.dma_semaphore, #tpu.memory_space<semaphore_mem>>)
      %add3A_255 = arith.constant 320000 : i32
      %add3A_256 = arith.addi %add3A_255, %mul3A_252 : i32
      %dma_start3A_257 = tpu.memref_slice %arg3[%add3A_256] : memref<640000xi32, #tpu.memory_space<hbm>> -> memref<80xi32, #tpu.memory_space<hbm>>
      %dma_start3A_258 = tpu.memref_slice %arg3[%add3A_256] : memref<640000xi32, #tpu.memory_space<hbm>> -> memref<80xi32, #tpu.memory_space<hbm>>
      tpu.enqueue_dma source(%dma_start3A_258 : memref<80xi32, #tpu.memory_space<hbm>>) target(%arg10 : memref<80xi32, #tpu.memory_space<vmem>>) target_semaphore(%arg15 : memref<!tpu.dma_semaphore, #tpu.memory_space<semaphore_mem>>)
      %dma_wait3A_259 = arith.constant 0 : i32
      %dma_wait3A_260 = arith.constant 0 : i32
      %dma_wait3A_261 = tpu.memref_slice %arg2[%dma_wait3A_259, %dma_wait3A_260] : memref<10000x128xf32, #tpu.memory_space<hbm>> -> memref<10000x128xf32, #tpu.memory_space<hbm>>
      tpu.wait_indirect_dma semaphore(%arg18 : memref<!tpu.dma_semaphore, #tpu.memory_space<semaphore_mem>>) src(%dma_wait3A_261 : memref<10000x128xf32, #tpu.memory_space<hbm>>) dst(%arg13 : memref<80x128xf32, #tpu.memory_space<vmem>>)
      %dma_start3A_262 = arith.constant 0 : i32
      %dma_start3A_263 = arith.constant 0 : i32
      %dma_start3A_264 = tpu.memref_slice %arg6[%dma_start3A_262, %dma_start3A_263] : memref<10112x128xf32, #tpu.memory_space<vmem_shared>> -> memref<10112x128xf32, #tpu.memory_space<vmem_shared>>
      tpu.enqueue_indirect_dma source(%arg13 : memref<80x128xf32, #tpu.memory_space<vmem>>) target(%dma_start3A_264 : memref<10112x128xf32, #tpu.memory_space<vmem_shared>>) offsets(%arg8 : memref<80xi32, #tpu.memory_space<vmem>>) semaphore(%arg20 : memref<!tpu.dma_semaphore, #tpu.memory_space<semaphore_mem>>) {add = true}
      %add3A_265 = arith.constant 3 : i32
      %add3A_266 = arith.addi %add3A_165, %add3A_265 : i32
      %dma_wait3A_267 = arith.constant 0 : i32
      %dma_wait3A_268 = tpu.memref_slice %arg3[%dma_wait3A_267] : memref<640000xi32, #tpu.memory_space<hbm>> -> memref<80xi32, #tpu.memory_space<hbm>>
      %dma_wait3A_269 = arith.constant 0 : i32
      %dma_wait3A_270 = tpu.memref_slice %arg3[%dma_wait3A_269] : memref<640000xi32, #tpu.memory_space<hbm>> -> memref<80xi32, #tpu.memory_space<hbm>>
      tpu.wait_dma2 semaphore(%arg15 : memref<!tpu.dma_semaphore, #tpu.memory_space<semaphore_mem>>) src(%dma_wait3A_270 : memref<80xi32, #tpu.memory_space<hbm>>) dst(%arg7 : memref<80xi32, #tpu.memory_space<vmem>>)
      %dma_wait3A_271 = arith.constant 0 : i32
      %dma_wait3A_272 = tpu.memref_slice %arg3[%dma_wait3A_271] : memref<640000xi32, #tpu.memory_space<hbm>> -> memref<80xi32, #tpu.memory_space<hbm>>
      %dma_wait3A_273 = arith.constant 0 : i32
      %dma_wait3A_274 = tpu.memref_slice %arg3[%dma_wait3A_273] : memref<640000xi32, #tpu.memory_space<hbm>> -> memref<80xi32, #tpu.memory_space<hbm>>
      tpu.wait_dma2 semaphore(%arg15 : memref<!tpu.dma_semaphore, #tpu.memory_space<semaphore_mem>>) src(%dma_wait3A_274 : memref<80xi32, #tpu.memory_space<hbm>>) dst(%arg10 : memref<80xi32, #tpu.memory_space<vmem>>)
      %dma_wait3A_275 = arith.constant 0 : i32
      %dma_wait3A_276 = arith.constant 0 : i32
      %dma_wait3A_277 = tpu.memref_slice %arg6[%dma_wait3A_275, %dma_wait3A_276] : memref<10112x128xf32, #tpu.memory_space<vmem_shared>> -> memref<10112x128xf32, #tpu.memory_space<vmem_shared>>
      tpu.wait_indirect_dma semaphore(%arg20 : memref<!tpu.dma_semaphore, #tpu.memory_space<semaphore_mem>>) src(%arg13 : memref<80x128xf32, #tpu.memory_space<vmem>>) dst(%dma_wait3A_277 : memref<10112x128xf32, #tpu.memory_space<vmem_shared>>)
      %dma_start3A_278 = arith.constant 0 : i32
      %dma_start3A_279 = arith.constant 0 : i32
      %dma_start3A_280 = tpu.memref_slice %arg2[%dma_start3A_278, %dma_start3A_279] : memref<10000x128xf32, #tpu.memory_space<hbm>> -> memref<10000x128xf32, #tpu.memory_space<hbm>>
      tpu.enqueue_indirect_dma source(%dma_start3A_280 : memref<10000x128xf32, #tpu.memory_space<hbm>>) target(%arg13 : memref<80x128xf32, #tpu.memory_space<vmem>>) offsets(%arg10 : memref<80xi32, #tpu.memory_space<vmem>>) semaphore(%arg18 : memref<!tpu.dma_semaphore, #tpu.memory_space<semaphore_mem>>)
      %add3A_281 = arith.constant 2 : i32
      %add3A_282 = arith.addi %add3A_266, %add3A_281 : i32
      %add3A_283 = arith.addi %mul3A_4, %add3A_282 : i32
      %mul3A_284 = arith.constant 80 : i32
      %mul3A_285 = arith.muli %add3A_283, %mul3A_284 : i32
      %dma_start3A_286 = tpu.memref_slice %arg3[%mul3A_285] : memref<640000xi32, #tpu.memory_space<hbm>> -> memref<80xi32, #tpu.memory_space<hbm>>
      %dma_start3A_287 = tpu.memref_slice %arg3[%mul3A_285] : memref<640000xi32, #tpu.memory_space<hbm>> -> memref<80xi32, #tpu.memory_space<hbm>>
      tpu.enqueue_dma source(%dma_start3A_287 : memref<80xi32, #tpu.memory_space<hbm>>) target(%arg8 : memref<80xi32, #tpu.memory_space<vmem>>) target_semaphore(%arg16 : memref<!tpu.dma_semaphore, #tpu.memory_space<semaphore_mem>>)
      %add3A_288 = arith.constant 320000 : i32
      %add3A_289 = arith.addi %add3A_288, %mul3A_285 : i32
      %dma_start3A_290 = tpu.memref_slice %arg3[%add3A_289] : memref<640000xi32, #tpu.memory_space<hbm>> -> memref<80xi32, #tpu.memory_space<hbm>>
      %dma_start3A_291 = tpu.memref_slice %arg3[%add3A_289] : memref<640000xi32, #tpu.memory_space<hbm>> -> memref<80xi32, #tpu.memory_space<hbm>>
      tpu.enqueue_dma source(%dma_start3A_291 : memref<80xi32, #tpu.memory_space<hbm>>) target(%arg11 : memref<80xi32, #tpu.memory_space<vmem>>) target_semaphore(%arg16 : memref<!tpu.dma_semaphore, #tpu.memory_space<semaphore_mem>>)
      %dma_wait3A_292 = arith.constant 0 : i32
      %dma_wait3A_293 = arith.constant 0 : i32
      %dma_wait3A_294 = tpu.memref_slice %arg2[%dma_wait3A_292, %dma_wait3A_293] : memref<10000x128xf32, #tpu.memory_space<hbm>> -> memref<10000x128xf32, #tpu.memory_space<hbm>>
      tpu.wait_indirect_dma semaphore(%arg19 : memref<!tpu.dma_semaphore, #tpu.memory_space<semaphore_mem>>) src(%dma_wait3A_294 : memref<10000x128xf32, #tpu.memory_space<hbm>>) dst(%arg14 : memref<80x128xf32, #tpu.memory_space<vmem>>)
      %dma_start3A_295 = arith.constant 0 : i32
      %dma_start3A_296 = arith.constant 0 : i32
      %dma_start3A_297 = tpu.memref_slice %arg6[%dma_start3A_295, %dma_start3A_296] : memref<10112x128xf32, #tpu.memory_space<vmem_shared>> -> memref<10112x128xf32, #tpu.memory_space<vmem_shared>>
      tpu.enqueue_indirect_dma source(%arg14 : memref<80x128xf32, #tpu.memory_space<vmem>>) target(%dma_start3A_297 : memref<10112x128xf32, #tpu.memory_space<vmem_shared>>) offsets(%arg9 : memref<80xi32, #tpu.memory_space<vmem>>) semaphore(%arg21 : memref<!tpu.dma_semaphore, #tpu.memory_space<semaphore_mem>>) {add = true}
      %add3A_298 = arith.constant 4 : i32
      %add3A_299 = arith.addi %add3A_165, %add3A_298 : i32
      %dma_wait3A_300 = arith.constant 0 : i32
      %dma_wait3A_301 = tpu.memref_slice %arg3[%dma_wait3A_300] : memref<640000xi32, #tpu.memory_space<hbm>> -> memref<80xi32, #tpu.memory_space<hbm>>
      %dma_wait3A_302 = arith.constant 0 : i32
      %dma_wait3A_303 = tpu.memref_slice %arg3[%dma_wait3A_302] : memref<640000xi32, #tpu.memory_space<hbm>> -> memref<80xi32, #tpu.memory_space<hbm>>
      tpu.wait_dma2 semaphore(%arg16 : memref<!tpu.dma_semaphore, #tpu.memory_space<semaphore_mem>>) src(%dma_wait3A_303 : memref<80xi32, #tpu.memory_space<hbm>>) dst(%arg8 : memref<80xi32, #tpu.memory_space<vmem>>)
      %dma_wait3A_304 = arith.constant 0 : i32
      %dma_wait3A_305 = tpu.memref_slice %arg3[%dma_wait3A_304] : memref<640000xi32, #tpu.memory_space<hbm>> -> memref<80xi32, #tpu.memory_space<hbm>>
      %dma_wait3A_306 = arith.constant 0 : i32
      %dma_wait3A_307 = tpu.memref_slice %arg3[%dma_wait3A_306] : memref<640000xi32, #tpu.memory_space<hbm>> -> memref<80xi32, #tpu.memory_space<hbm>>
      tpu.wait_dma2 semaphore(%arg16 : memref<!tpu.dma_semaphore, #tpu.memory_space<semaphore_mem>>) src(%dma_wait3A_307 : memref<80xi32, #tpu.memory_space<hbm>>) dst(%arg11 : memref<80xi32, #tpu.memory_space<vmem>>)
      %dma_wait3A_308 = arith.constant 0 : i32
      %dma_wait3A_309 = arith.constant 0 : i32
      %dma_wait3A_310 = tpu.memref_slice %arg6[%dma_wait3A_308, %dma_wait3A_309] : memref<10112x128xf32, #tpu.memory_space<vmem_shared>> -> memref<10112x128xf32, #tpu.memory_space<vmem_shared>>
      tpu.wait_indirect_dma semaphore(%arg21 : memref<!tpu.dma_semaphore, #tpu.memory_space<semaphore_mem>>) src(%arg14 : memref<80x128xf32, #tpu.memory_space<vmem>>) dst(%dma_wait3A_310 : memref<10112x128xf32, #tpu.memory_space<vmem_shared>>)
      %dma_start3A_311 = arith.constant 0 : i32
      %dma_start3A_312 = arith.constant 0 : i32
      %dma_start3A_313 = tpu.memref_slice %arg2[%dma_start3A_311, %dma_start3A_312] : memref<10000x128xf32, #tpu.memory_space<hbm>> -> memref<10000x128xf32, #tpu.memory_space<hbm>>
      tpu.enqueue_indirect_dma source(%dma_start3A_313 : memref<10000x128xf32, #tpu.memory_space<hbm>>) target(%arg14 : memref<80x128xf32, #tpu.memory_space<vmem>>) offsets(%arg11 : memref<80xi32, #tpu.memory_space<vmem>>) semaphore(%arg19 : memref<!tpu.dma_semaphore, #tpu.memory_space<semaphore_mem>>)
      %add3A_314 = arith.constant 2 : i32
      %add3A_315 = arith.addi %add3A_299, %add3A_314 : i32
      %add3A_316 = arith.addi %mul3A_4, %add3A_315 : i32
      %mul3A_317 = arith.constant 80 : i32
      %mul3A_318 = arith.muli %add3A_316, %mul3A_317 : i32
      %dma_start3A_319 = tpu.memref_slice %arg3[%mul3A_318] : memref<640000xi32, #tpu.memory_space<hbm>> -> memref<80xi32, #tpu.memory_space<hbm>>
      %dma_start3A_320 = tpu.memref_slice %arg3[%mul3A_318] : memref<640000xi32, #tpu.memory_space<hbm>> -> memref<80xi32, #tpu.memory_space<hbm>>
      tpu.enqueue_dma source(%dma_start3A_320 : memref<80xi32, #tpu.memory_space<hbm>>) target(%arg9 : memref<80xi32, #tpu.memory_space<vmem>>) target_semaphore(%arg17 : memref<!tpu.dma_semaphore, #tpu.memory_space<semaphore_mem>>)
      %add3A_321 = arith.constant 320000 : i32
      %add3A_322 = arith.addi %add3A_321, %mul3A_318 : i32
      %dma_start3A_323 = tpu.memref_slice %arg3[%add3A_322] : memref<640000xi32, #tpu.memory_space<hbm>> -> memref<80xi32, #tpu.memory_space<hbm>>
      %dma_start3A_324 = tpu.memref_slice %arg3[%add3A_322] : memref<640000xi32, #tpu.memory_space<hbm>> -> memref<80xi32, #tpu.memory_space<hbm>>
      tpu.enqueue_dma source(%dma_start3A_324 : memref<80xi32, #tpu.memory_space<hbm>>) target(%arg12 : memref<80xi32, #tpu.memory_space<vmem>>) target_semaphore(%arg17 : memref<!tpu.dma_semaphore, #tpu.memory_space<semaphore_mem>>)
      %dma_wait3A_325 = arith.constant 0 : i32
      %dma_wait3A_326 = arith.constant 0 : i32
      %dma_wait3A_327 = tpu.memref_slice %arg2[%dma_wait3A_325, %dma_wait3A_326] : memref<10000x128xf32, #tpu.memory_space<hbm>> -> memref<10000x128xf32, #tpu.memory_space<hbm>>
      tpu.wait_indirect_dma semaphore(%arg18 : memref<!tpu.dma_semaphore, #tpu.memory_space<semaphore_mem>>) src(%dma_wait3A_327 : memref<10000x128xf32, #tpu.memory_space<hbm>>) dst(%arg13 : memref<80x128xf32, #tpu.memory_space<vmem>>)
      %dma_start3A_328 = arith.constant 0 : i32
      %dma_start3A_329 = arith.constant 0 : i32
      %dma_start3A_330 = tpu.memref_slice %arg6[%dma_start3A_328, %dma_start3A_329] : memref<10112x128xf32, #tpu.memory_space<vmem_shared>> -> memref<10112x128xf32, #tpu.memory_space<vmem_shared>>
      tpu.enqueue_indirect_dma source(%arg13 : memref<80x128xf32, #tpu.memory_space<vmem>>) target(%dma_start3A_330 : memref<10112x128xf32, #tpu.memory_space<vmem_shared>>) offsets(%arg7 : memref<80xi32, #tpu.memory_space<vmem>>) semaphore(%arg20 : memref<!tpu.dma_semaphore, #tpu.memory_space<semaphore_mem>>) {add = true}
      %add3A_331 = arith.constant 5 : i32
      %add3A_332 = arith.addi %add3A_165, %add3A_331 : i32
      %dma_wait3A_333 = arith.constant 0 : i32
      %dma_wait3A_334 = tpu.memref_slice %arg3[%dma_wait3A_333] : memref<640000xi32, #tpu.memory_space<hbm>> -> memref<80xi32, #tpu.memory_space<hbm>>
      %dma_wait3A_335 = arith.constant 0 : i32
      %dma_wait3A_336 = tpu.memref_slice %arg3[%dma_wait3A_335] : memref<640000xi32, #tpu.memory_space<hbm>> -> memref<80xi32, #tpu.memory_space<hbm>>
      tpu.wait_dma2 semaphore(%arg17 : memref<!tpu.dma_semaphore, #tpu.memory_space<semaphore_mem>>) src(%dma_wait3A_336 : memref<80xi32, #tpu.memory_space<hbm>>) dst(%arg9 : memref<80xi32, #tpu.memory_space<vmem>>)
      %dma_wait3A_337 = arith.constant 0 : i32
      %dma_wait3A_338 = tpu.memref_slice %arg3[%dma_wait3A_337] : memref<640000xi32, #tpu.memory_space<hbm>> -> memref<80xi32, #tpu.memory_space<hbm>>
      %dma_wait3A_339 = arith.constant 0 : i32
      %dma_wait3A_340 = tpu.memref_slice %arg3[%dma_wait3A_339] : memref<640000xi32, #tpu.memory_space<hbm>> -> memref<80xi32, #tpu.memory_space<hbm>>
      tpu.wait_dma2 semaphore(%arg17 : memref<!tpu.dma_semaphore, #tpu.memory_space<semaphore_mem>>) src(%dma_wait3A_340 : memref<80xi32, #tpu.memory_space<hbm>>) dst(%arg12 : memref<80xi32, #tpu.memory_space<vmem>>)
      %dma_wait3A_341 = arith.constant 0 : i32
      %dma_wait3A_342 = arith.constant 0 : i32
      %dma_wait3A_343 = tpu.memref_slice %arg6[%dma_wait3A_341, %dma_wait3A_342] : memref<10112x128xf32, #tpu.memory_space<vmem_shared>> -> memref<10112x128xf32, #tpu.memory_space<vmem_shared>>
      tpu.wait_indirect_dma semaphore(%arg20 : memref<!tpu.dma_semaphore, #tpu.memory_space<semaphore_mem>>) src(%arg13 : memref<80x128xf32, #tpu.memory_space<vmem>>) dst(%dma_wait3A_343 : memref<10112x128xf32, #tpu.memory_space<vmem_shared>>)
      %dma_start3A_344 = arith.constant 0 : i32
      %dma_start3A_345 = arith.constant 0 : i32
      %dma_start3A_346 = tpu.memref_slice %arg2[%dma_start3A_344, %dma_start3A_345] : memref<10000x128xf32, #tpu.memory_space<hbm>> -> memref<10000x128xf32, #tpu.memory_space<hbm>>
      tpu.enqueue_indirect_dma source(%dma_start3A_346 : memref<10000x128xf32, #tpu.memory_space<hbm>>) target(%arg13 : memref<80x128xf32, #tpu.memory_space<vmem>>) offsets(%arg12 : memref<80xi32, #tpu.memory_space<vmem>>) semaphore(%arg18 : memref<!tpu.dma_semaphore, #tpu.memory_space<semaphore_mem>>)
      %add3A_347 = arith.constant 2 : i32
      %add3A_348 = arith.addi %add3A_332, %add3A_347 : i32
      %add3A_349 = arith.addi %mul3A_4, %add3A_348 : i32
      %mul3A_350 = arith.constant 80 : i32
      %mul3A_351 = arith.muli %add3A_349, %mul3A_350 : i32
      %dma_start3A_352 = tpu.memref_slice %arg3[%mul3A_351] : memref<640000xi32, #tpu.memory_space<hbm>> -> memref<80xi32, #tpu.memory_space<hbm>>
      %dma_start3A_353 = tpu.memref_slice %arg3[%mul3A_351] : memref<640000xi32, #tpu.memory_space<hbm>> -> memref<80xi32, #tpu.memory_space<hbm>>
      tpu.enqueue_dma source(%dma_start3A_353 : memref<80xi32, #tpu.memory_space<hbm>>) target(%arg7 : memref<80xi32, #tpu.memory_space<vmem>>) target_semaphore(%arg15 : memref<!tpu.dma_semaphore, #tpu.memory_space<semaphore_mem>>)
      %add3A_354 = arith.constant 320000 : i32
      %add3A_355 = arith.addi %add3A_354, %mul3A_351 : i32
      %dma_start3A_356 = tpu.memref_slice %arg3[%add3A_355] : memref<640000xi32, #tpu.memory_space<hbm>> -> memref<80xi32, #tpu.memory_space<hbm>>
      %dma_start3A_357 = tpu.memref_slice %arg3[%add3A_355] : memref<640000xi32, #tpu.memory_space<hbm>> -> memref<80xi32, #tpu.memory_space<hbm>>
      tpu.enqueue_dma source(%dma_start3A_357 : memref<80xi32, #tpu.memory_space<hbm>>) target(%arg10 : memref<80xi32, #tpu.memory_space<vmem>>) target_semaphore(%arg15 : memref<!tpu.dma_semaphore, #tpu.memory_space<semaphore_mem>>)
      %dma_wait3A_358 = arith.constant 0 : i32
      %dma_wait3A_359 = arith.constant 0 : i32
      %dma_wait3A_360 = tpu.memref_slice %arg2[%dma_wait3A_358, %dma_wait3A_359] : memref<10000x128xf32, #tpu.memory_space<hbm>> -> memref<10000x128xf32, #tpu.memory_space<hbm>>
      tpu.wait_indirect_dma semaphore(%arg19 : memref<!tpu.dma_semaphore, #tpu.memory_space<semaphore_mem>>) src(%dma_wait3A_360 : memref<10000x128xf32, #tpu.memory_space<hbm>>) dst(%arg14 : memref<80x128xf32, #tpu.memory_space<vmem>>)
      %dma_start3A_361 = arith.constant 0 : i32
      %dma_start3A_362 = arith.constant 0 : i32
      %dma_start3A_363 = tpu.memref_slice %arg6[%dma_start3A_361, %dma_start3A_362] : memref<10112x128xf32, #tpu.memory_space<vmem_shared>> -> memref<10112x128xf32, #tpu.memory_space<vmem_shared>>
      tpu.enqueue_indirect_dma source(%arg14 : memref<80x128xf32, #tpu.memory_space<vmem>>) target(%dma_start3A_363 : memref<10112x128xf32, #tpu.memory_space<vmem_shared>>) offsets(%arg8 : memref<80xi32, #tpu.memory_space<vmem>>) semaphore(%arg21 : memref<!tpu.dma_semaphore, #tpu.memory_space<semaphore_mem>>) {add = true}
    }
    %scan3A_95 = arith.constant 20 : i32
    %dma_wait3A_96 = arith.constant 0 : i32
    %dma_wait3A_97 = tpu.memref_slice %arg3[%dma_wait3A_96] : memref<640000xi32, #tpu.memory_space<hbm>> -> memref<80xi32, #tpu.memory_space<hbm>>
    %dma_wait3A_98 = arith.constant 0 : i32
    %dma_wait3A_99 = tpu.memref_slice %arg3[%dma_wait3A_98] : memref<640000xi32, #tpu.memory_space<hbm>> -> memref<80xi32, #tpu.memory_space<hbm>>
    tpu.wait_dma2 semaphore(%arg15 : memref<!tpu.dma_semaphore, #tpu.memory_space<semaphore_mem>>) src(%dma_wait3A_99 : memref<80xi32, #tpu.memory_space<hbm>>) dst(%arg7 : memref<80xi32, #tpu.memory_space<vmem>>)
    %dma_wait3A_100 = arith.constant 0 : i32
    %dma_wait3A_101 = tpu.memref_slice %arg3[%dma_wait3A_100] : memref<640000xi32, #tpu.memory_space<hbm>> -> memref<80xi32, #tpu.memory_space<hbm>>
    %dma_wait3A_102 = arith.constant 0 : i32
    %dma_wait3A_103 = tpu.memref_slice %arg3[%dma_wait3A_102] : memref<640000xi32, #tpu.memory_space<hbm>> -> memref<80xi32, #tpu.memory_space<hbm>>
    tpu.wait_dma2 semaphore(%arg15 : memref<!tpu.dma_semaphore, #tpu.memory_space<semaphore_mem>>) src(%dma_wait3A_103 : memref<80xi32, #tpu.memory_space<hbm>>) dst(%arg10 : memref<80xi32, #tpu.memory_space<vmem>>)
    %dma_wait3A_104 = arith.constant 0 : i32
    %dma_wait3A_105 = arith.constant 0 : i32
    %dma_wait3A_106 = tpu.memref_slice %arg6[%dma_wait3A_104, %dma_wait3A_105] : memref<10112x128xf32, #tpu.memory_space<vmem_shared>> -> memref<10112x128xf32, #tpu.memory_space<vmem_shared>>
    tpu.wait_indirect_dma semaphore(%arg21 : memref<!tpu.dma_semaphore, #tpu.memory_space<semaphore_mem>>) src(%arg14 : memref<80x128xf32, #tpu.memory_space<vmem>>) dst(%dma_wait3A_106 : memref<10112x128xf32, #tpu.memory_space<vmem_shared>>)
    %dma_start3A_107 = arith.constant 0 : i32
    %dma_start3A_108 = arith.constant 0 : i32
    %dma_start3A_109 = tpu.memref_slice %arg2[%dma_start3A_107, %dma_start3A_108] : memref<10000x128xf32, #tpu.memory_space<hbm>> -> memref<10000x128xf32, #tpu.memory_space<hbm>>
    tpu.enqueue_indirect_dma source(%dma_start3A_109 : memref<10000x128xf32, #tpu.memory_space<hbm>>) target(%arg14 : memref<80x128xf32, #tpu.memory_space<vmem>>) offsets(%arg10 : memref<80xi32, #tpu.memory_space<vmem>>) semaphore(%arg19 : memref<!tpu.dma_semaphore, #tpu.memory_space<semaphore_mem>>)
    %add3A_110 = arith.constant 124 : i32
    %add3A_111 = arith.addi %mul3A_4, %add3A_110 : i32
    %mul3A_112 = arith.constant 80 : i32
    %mul3A_113 = arith.muli %add3A_111, %mul3A_112 : i32
    %dma_start3A_114 = tpu.memref_slice %arg3[%mul3A_113] : memref<640000xi32, #tpu.memory_space<hbm>> -> memref<80xi32, #tpu.memory_space<hbm>>
    %dma_start3A_115 = tpu.memref_slice %arg3[%mul3A_113] : memref<640000xi32, #tpu.memory_space<hbm>> -> memref<80xi32, #tpu.memory_space<hbm>>
    tpu.enqueue_dma source(%dma_start3A_115 : memref<80xi32, #tpu.memory_space<hbm>>) target(%arg8 : memref<80xi32, #tpu.memory_space<vmem>>) target_semaphore(%arg16 : memref<!tpu.dma_semaphore, #tpu.memory_space<semaphore_mem>>)
    %add3A_116 = arith.constant 320000 : i32
    %add3A_117 = arith.addi %add3A_116, %mul3A_113 : i32
    %dma_start3A_118 = tpu.memref_slice %arg3[%add3A_117] : memref<640000xi32, #tpu.memory_space<hbm>> -> memref<80xi32, #tpu.memory_space<hbm>>
    %dma_start3A_119 = tpu.memref_slice %arg3[%add3A_117] : memref<640000xi32, #tpu.memory_space<hbm>> -> memref<80xi32, #tpu.memory_space<hbm>>
    tpu.enqueue_dma source(%dma_start3A_119 : memref<80xi32, #tpu.memory_space<hbm>>) target(%arg11 : memref<80xi32, #tpu.memory_space<vmem>>) target_semaphore(%arg16 : memref<!tpu.dma_semaphore, #tpu.memory_space<semaphore_mem>>)
    %dma_wait3A_120 = arith.constant 0 : i32
    %dma_wait3A_121 = arith.constant 0 : i32
    %dma_wait3A_122 = tpu.memref_slice %arg2[%dma_wait3A_120, %dma_wait3A_121] : memref<10000x128xf32, #tpu.memory_space<hbm>> -> memref<10000x128xf32, #tpu.memory_space<hbm>>
    tpu.wait_indirect_dma semaphore(%arg18 : memref<!tpu.dma_semaphore, #tpu.memory_space<semaphore_mem>>) src(%dma_wait3A_122 : memref<10000x128xf32, #tpu.memory_space<hbm>>) dst(%arg13 : memref<80x128xf32, #tpu.memory_space<vmem>>)
    %dma_start3A_123 = arith.constant 0 : i32
    %dma_start3A_124 = arith.constant 0 : i32
    %dma_start3A_125 = tpu.memref_slice %arg6[%dma_start3A_123, %dma_start3A_124] : memref<10112x128xf32, #tpu.memory_space<vmem_shared>> -> memref<10112x128xf32, #tpu.memory_space<vmem_shared>>
    tpu.enqueue_indirect_dma source(%arg13 : memref<80x128xf32, #tpu.memory_space<vmem>>) target(%dma_start3A_125 : memref<10112x128xf32, #tpu.memory_space<vmem_shared>>) offsets(%arg9 : memref<80xi32, #tpu.memory_space<vmem>>) semaphore(%arg20 : memref<!tpu.dma_semaphore, #tpu.memory_space<semaphore_mem>>) {add = true}
    %dma_wait3A_126 = arith.constant 0 : i32
    %dma_wait3A_127 = tpu.memref_slice %arg3[%dma_wait3A_126] : memref<640000xi32, #tpu.memory_space<hbm>> -> memref<80xi32, #tpu.memory_space<hbm>>
    %dma_wait3A_128 = arith.constant 0 : i32
    %dma_wait3A_129 = tpu.memref_slice %arg3[%dma_wait3A_128] : memref<640000xi32, #tpu.memory_space<hbm>> -> memref<80xi32, #tpu.memory_space<hbm>>
    tpu.wait_dma2 semaphore(%arg16 : memref<!tpu.dma_semaphore, #tpu.memory_space<semaphore_mem>>) src(%dma_wait3A_129 : memref<80xi32, #tpu.memory_space<hbm>>) dst(%arg8 : memref<80xi32, #tpu.memory_space<vmem>>)
    %dma_wait3A_130 = arith.constant 0 : i32
    %dma_wait3A_131 = tpu.memref_slice %arg3[%dma_wait3A_130] : memref<640000xi32, #tpu.memory_space<hbm>> -> memref<80xi32, #tpu.memory_space<hbm>>
    %dma_wait3A_132 = arith.constant 0 : i32
    %dma_wait3A_133 = tpu.memref_slice %arg3[%dma_wait3A_132] : memref<640000xi32, #tpu.memory_space<hbm>> -> memref<80xi32, #tpu.memory_space<hbm>>
    tpu.wait_dma2 semaphore(%arg16 : memref<!tpu.dma_semaphore, #tpu.memory_space<semaphore_mem>>) src(%dma_wait3A_133 : memref<80xi32, #tpu.memory_space<hbm>>) dst(%arg11 : memref<80xi32, #tpu.memory_space<vmem>>)
    %dma_wait3A_134 = arith.constant 0 : i32
    %dma_wait3A_135 = arith.constant 0 : i32
    %dma_wait3A_136 = tpu.memref_slice %arg6[%dma_wait3A_134, %dma_wait3A_135] : memref<10112x128xf32, #tpu.memory_space<vmem_shared>> -> memref<10112x128xf32, #tpu.memory_space<vmem_shared>>
    tpu.wait_indirect_dma semaphore(%arg20 : memref<!tpu.dma_semaphore, #tpu.memory_space<semaphore_mem>>) src(%arg13 : memref<80x128xf32, #tpu.memory_space<vmem>>) dst(%dma_wait3A_136 : memref<10112x128xf32, #tpu.memory_space<vmem_shared>>)
    %dma_start3A_137 = arith.constant 0 : i32
    %dma_start3A_138 = arith.constant 0 : i32
    %dma_start3A_139 = tpu.memref_slice %arg2[%dma_start3A_137, %dma_start3A_138] : memref<10000x128xf32, #tpu.memory_space<hbm>> -> memref<10000x128xf32, #tpu.memory_space<hbm>>
    tpu.enqueue_indirect_dma source(%dma_start3A_139 : memref<10000x128xf32, #tpu.memory_space<hbm>>) target(%arg13 : memref<80x128xf32, #tpu.memory_space<vmem>>) offsets(%arg11 : memref<80xi32, #tpu.memory_space<vmem>>) semaphore(%arg18 : memref<!tpu.dma_semaphore, #tpu.memory_space<semaphore_mem>>)
    %dma_wait3A_140 = arith.constant 0 : i32
    %dma_wait3A_141 = arith.constant 0 : i32
    %dma_wait3A_142 = tpu.memref_slice %arg2[%dma_wait3A_140, %dma_wait3A_141] : memref<10000x128xf32, #tpu.memory_space<hbm>> -> memref<10000x128xf32, #tpu.memory_space<hbm>>
    tpu.wait_indirect_dma semaphore(%arg19 : memref<!tpu.dma_semaphore, #tpu.memory_space<semaphore_mem>>) src(%dma_wait3A_142 : memref<10000x128xf32, #tpu.memory_space<hbm>>) dst(%arg14 : memref<80x128xf32, #tpu.memory_space<vmem>>)
    %dma_start3A_143 = arith.constant 0 : i32
    %dma_start3A_144 = arith.constant 0 : i32
    %dma_start3A_145 = tpu.memref_slice %arg6[%dma_start3A_143, %dma_start3A_144] : memref<10112x128xf32, #tpu.memory_space<vmem_shared>> -> memref<10112x128xf32, #tpu.memory_space<vmem_shared>>
    tpu.enqueue_indirect_dma source(%arg14 : memref<80x128xf32, #tpu.memory_space<vmem>>) target(%dma_start3A_145 : memref<10112x128xf32, #tpu.memory_space<vmem_shared>>) offsets(%arg7 : memref<80xi32, #tpu.memory_space<vmem>>) semaphore(%arg21 : memref<!tpu.dma_semaphore, #tpu.memory_space<semaphore_mem>>) {add = true}
    %dma_wait3A_146 = arith.constant 0 : i32
    %dma_wait3A_147 = arith.constant 0 : i32
    %dma_wait3A_148 = tpu.memref_slice %arg2[%dma_wait3A_146, %dma_wait3A_147] : memref<10000x128xf32, #tpu.memory_space<hbm>> -> memref<10000x128xf32, #tpu.memory_space<hbm>>
    tpu.wait_indirect_dma semaphore(%arg18 : memref<!tpu.dma_semaphore, #tpu.memory_space<semaphore_mem>>) src(%dma_wait3A_148 : memref<10000x128xf32, #tpu.memory_space<hbm>>) dst(%arg13 : memref<80x128xf32, #tpu.memory_space<vmem>>)
    %dma_start3A_149 = arith.constant 0 : i32
    %dma_start3A_150 = arith.constant 0 : i32
    %dma_start3A_151 = tpu.memref_slice %arg6[%dma_start3A_149, %dma_start3A_150] : memref<10112x128xf32, #tpu.memory_space<vmem_shared>> -> memref<10112x128xf32, #tpu.memory_space<vmem_shared>>
    tpu.enqueue_indirect_dma source(%arg13 : memref<80x128xf32, #tpu.memory_space<vmem>>) target(%dma_start3A_151 : memref<10112x128xf32, #tpu.memory_space<vmem_shared>>) offsets(%arg8 : memref<80xi32, #tpu.memory_space<vmem>>) semaphore(%arg20 : memref<!tpu.dma_semaphore, #tpu.memory_space<semaphore_mem>>) {add = true}
    %dma_wait3A_152 = arith.constant 0 : i32
    %dma_wait3A_153 = arith.constant 0 : i32
    %dma_wait3A_154 = tpu.memref_slice %arg6[%dma_wait3A_152, %dma_wait3A_153] : memref<10112x128xf32, #tpu.memory_space<vmem_shared>> -> memref<10112x128xf32, #tpu.memory_space<vmem_shared>>
    tpu.wait_indirect_dma semaphore(%arg20 : memref<!tpu.dma_semaphore, #tpu.memory_space<semaphore_mem>>) src(%arg13 : memref<80x128xf32, #tpu.memory_space<vmem>>) dst(%dma_wait3A_154 : memref<10112x128xf32, #tpu.memory_space<vmem_shared>>)
    %dma_wait3A_155 = arith.constant 0 : i32
    %dma_wait3A_156 = arith.constant 0 : i32
    %dma_wait3A_157 = tpu.memref_slice %arg6[%dma_wait3A_155, %dma_wait3A_156] : memref<10112x128xf32, #tpu.memory_space<vmem_shared>> -> memref<10112x128xf32, #tpu.memory_space<vmem_shared>>
    tpu.wait_indirect_dma semaphore(%arg21 : memref<!tpu.dma_semaphore, #tpu.memory_space<semaphore_mem>>) src(%arg14 : memref<80x128xf32, #tpu.memory_space<vmem>>) dst(%dma_wait3A_157 : memref<10112x128xf32, #tpu.memory_space<vmem_shared>>)
    %barrier3A_158 = arith.constant 0 : index
    tpu.barrier barrier_id(%barrier3A_158)
    %mul3A_159 = arith.constant 632 : i32
    %mul3A_160 = arith.muli %arg1, %mul3A_159 : i32
    "tpu.region"() ({
      %run_scoped3A = tpu.sem_alloc : memref<!tpu.dma_semaphore, #tpu.memory_space<semaphore_mem>>
      %dma_start3A_161 = arith.constant 0 : i32
      %dma_start3A_162 = tpu.memref_slice %arg5[%arg0, %mul3A_160, %dma_start3A_161] : memref<2x10112x128xf32, #tpu.memory_space<hbm>> -> memref<1x632x128xf32, #tpu.memory_space<hbm>>
      %dma_start3A_163 = tpu.memref_squeeze %dma_start3A_162 : memref<1x632x128xf32, #tpu.memory_space<hbm>> -> memref<632x128xf32, #tpu.memory_space<hbm>>
      %dma_start3A_164 = arith.constant 0 : i32
      %dma_start3A_165 = tpu.memref_slice %arg6[%mul3A_160, %dma_start3A_164] : memref<10112x128xf32, #tpu.memory_space<vmem_shared>> -> memref<632x128xf32, #tpu.memory_space<vmem_shared>>
      tpu.enqueue_dma source(%dma_start3A_165 : memref<632x128xf32, #tpu.memory_space<vmem_shared>>) target(%dma_start3A_163 : memref<632x128xf32, #tpu.memory_space<hbm>>) target_semaphore(%run_scoped3A : memref<!tpu.dma_semaphore, #tpu.memory_space<semaphore_mem>>)
      %dma_wait3A_166 = arith.constant 0 : i32
      %dma_wait3A_167 = tpu.memref_slice %arg5[%arg0, %mul3A_160, %dma_wait3A_166] : memref<2x10112x128xf32, #tpu.memory_space<hbm>> -> memref<1x632x128xf32, #tpu.memory_space<hbm>>
      %dma_wait3A_168 = tpu.memref_squeeze %dma_wait3A_167 : memref<1x632x128xf32, #tpu.memory_space<hbm>> -> memref<632x128xf32, #tpu.memory_space<hbm>>
      %dma_wait3A_169 = arith.constant 0 : i32
      %dma_wait3A_170 = tpu.memref_slice %arg6[%mul3A_160, %dma_wait3A_169] : memref<10112x128xf32, #tpu.memory_space<vmem_shared>> -> memref<632x128xf32, #tpu.memory_space<vmem_shared>>
      tpu.wait_dma2 semaphore(%run_scoped3A : memref<!tpu.dma_semaphore, #tpu.memory_space<semaphore_mem>>) src(%dma_wait3A_170 : memref<632x128xf32, #tpu.memory_space<vmem_shared>>) dst(%dma_wait3A_168 : memref<632x128xf32, #tpu.memory_space<hbm>>)
      tpu.yield
    }) : () -> ()
    return
  }
}

module attributes {stable_mosaic.version = 14 : i64} {
  func.func @body(%arg0: i32, %arg1: memref<1000x128xf32, #tpu.memory_space<vmem>>, %arg2: memref<2x1000x128xf32, #tpu.memory_space<vmem>>, %arg3: memref<2x1000x16xf32, #tpu.memory_space<vmem>>, %arg4: memref<1x1xf32, #tpu.memory_space<vmem>>, %arg5: memref<128x128xf32, #tpu.memory_space<vmem>>, %arg6: memref<1x128xf32, #tpu.memory_space<vmem>>, %arg7: memref<128x128xf32, #tpu.memory_space<vmem>>, %arg8: memref<1x128xf32, #tpu.memory_space<vmem>>, %arg9: memref<16x128xf32, #tpu.memory_space<vmem>>, %arg10: memref<1x128xf32, #tpu.memory_space<vmem>>, %arg11: memref<1x128xf32, #tpu.memory_space<vmem>>, %arg12: memref<1000x128xf32, #tpu.memory_space<vmem>>) attributes {dimension_semantics = [#tpu.dimension_semantics<arbitrary>], iteration_bounds = array<i64: 10>, scalar_prefetch = 0 : i64, scratch_operands = 0 : i64, tpu.core_type = #tpu.core_type<tc>, window_params = [{transform_indices = @transform_0, window_bounds = array<i64: 1000, 128>}, {transform_indices = @transform_1, window_bounds = array<i64: 2, 1000, 128>}, {transform_indices = @transform_2, window_bounds = array<i64: 2, 1000, 16>}, {pipeline_mode = #tpu.pipeline_mode<synchronous>, transform_indices = @transform_3, window_bounds = array<i64: 1, 1>}, {pipeline_mode = #tpu.pipeline_mode<synchronous>, transform_indices = @transform_4, window_bounds = array<i64: 128, 128>}, {pipeline_mode = #tpu.pipeline_mode<synchronous>, transform_indices = @transform_5, window_bounds = array<i64: 1, 128>}, {pipeline_mode = #tpu.pipeline_mode<synchronous>, transform_indices = @transform_6, window_bounds = array<i64: 128, 128>}, {pipeline_mode = #tpu.pipeline_mode<synchronous>, transform_indices = @transform_7, window_bounds = array<i64: 1, 128>}, {pipeline_mode = #tpu.pipeline_mode<synchronous>, transform_indices = @transform_8, window_bounds = array<i64: 16, 128>}, {pipeline_mode = #tpu.pipeline_mode<synchronous>, transform_indices = @transform_9, window_bounds = array<i64: 1, 128>}, {pipeline_mode = #tpu.pipeline_mode<synchronous>, transform_indices = @transform_10, window_bounds = array<i64: 1, 128>}, {transform_indices = @transform_11, window_bounds = array<i64: 1000, 128>}]} {
    %get3A = arith.constant 0 : index
    %get3A_0 = arith.constant 0 : index
    %get3A_1 = arith.constant 0 : index
    %get3A_2 = vector.load %arg2[%get3A, %get3A_0, %get3A_1] : memref<2x1000x128xf32, #tpu.memory_space<vmem>>, vector<1x1000x128xf32>
    %get3A_3 = vector.shape_cast %get3A_2 : vector<1x1000x128xf32> to vector<1000x128xf32>
    %get3A_4 = arith.constant 1 : index
    %get3A_5 = arith.constant 0 : index
    %get3A_6 = arith.constant 0 : index
    %get3A_7 = vector.load %arg2[%get3A_4, %get3A_5, %get3A_6] : memref<2x1000x128xf32, #tpu.memory_space<vmem>>, vector<1x1000x128xf32>
    %get3A_8 = vector.shape_cast %get3A_7 : vector<1x1000x128xf32> to vector<1000x128xf32>
    %add3A = arith.addf %get3A_3, %get3A_8 : vector<1000x128xf32>
    %get3A_9 = arith.constant 0 : index
    %get3A_10 = arith.constant 0 : index
    %get3A_11 = arith.constant 0 : index
    %get3A_12 = vector.load %arg3[%get3A_9, %get3A_10, %get3A_11] : memref<2x1000x16xf32, #tpu.memory_space<vmem>>, vector<1x1000x16xf32>
    %get3A_13 = vector.shape_cast %get3A_12 : vector<1x1000x16xf32> to vector<1000x16xf32>
    %get3A_14 = arith.constant 1 : index
    %get3A_15 = arith.constant 0 : index
    %get3A_16 = arith.constant 0 : index
    %get3A_17 = vector.load %arg3[%get3A_14, %get3A_15, %get3A_16] : memref<2x1000x16xf32, #tpu.memory_space<vmem>>, vector<1x1000x16xf32>
    %get3A_18 = vector.shape_cast %get3A_17 : vector<1x1000x16xf32> to vector<1000x16xf32>
    %add3A_19 = arith.addf %get3A_13, %get3A_18 : vector<1000x16xf32>
    %get3A_20 = arith.constant 0 : index
    %get3A_21 = arith.constant 0 : index
    %get3A_22 = vector.load %arg4[%get3A_20, %get3A_21] : memref<1x1xf32, #tpu.memory_space<vmem>>, vector<1x1xf32>
    %get3A_23 = vector.extract %get3A_22[0, 0] : f32 from vector<1x1xf32>
    %get3A_24 = arith.constant 0 : index
    %get3A_25 = arith.constant 0 : index
    %get3A_26 = vector.load %arg1[%get3A_24, %get3A_25] : memref<1000x128xf32, #tpu.memory_space<vmem>>, vector<1000x128xf32>
    %mul3A = vector.broadcast %get3A_23 : f32 to vector<1000x128xf32>
    %mul3A_27 = arith.mulf %mul3A, %get3A_26 : vector<1000x128xf32>
    %add3A_28 = arith.addf %mul3A_27, %add3A : vector<1000x128xf32>
    %get3A_29 = arith.constant 0 : index
    %get3A_30 = arith.constant 0 : index
    %get3A_31 = vector.load %arg9[%get3A_29, %get3A_30] : memref<16x128xf32, #tpu.memory_space<vmem>>, vector<16x128xf32>
    %dot_general3A = arith.constant dense<0.000000e+00> : vector<1000x128xf32>
    %dot_general3A_32 = tpu.matmul %add3A_19, %get3A_31, %dot_general3A {dimension_numbers = #tpu.dot_dimension_numbers<[1], [0], [0], [1], [0, 0, 1, 1], [], []>, transpose_lhs_hint = false} : vector<1000x16xf32>, vector<16x128xf32>, vector<1000x128xf32> -> vector<1000x128xf32>
    %add3A_33 = arith.addf %add3A_28, %dot_general3A_32 : vector<1000x128xf32>
    %get3A_34 = arith.constant 0 : index
    %get3A_35 = arith.constant 0 : index
    %get3A_36 = vector.load %arg5[%get3A_34, %get3A_35] : memref<128x128xf32, #tpu.memory_space<vmem>>, vector<128x128xf32>
    %dot_general3A_37 = arith.constant dense<0.000000e+00> : vector<1000x128xf32>
    %dot_general3A_38 = tpu.matmul %add3A_33, %get3A_36, %dot_general3A_37 {dimension_numbers = #tpu.dot_dimension_numbers<[1], [0], [0], [1], [0, 0, 1, 1], [], []>, transpose_lhs_hint = false} : vector<1000x128xf32>, vector<128x128xf32>, vector<1000x128xf32> -> vector<1000x128xf32>
    %get3A_39 = arith.constant 0 : index
    %get3A_40 = arith.constant 0 : index
    %get3A_41 = vector.load %arg6[%get3A_39, %get3A_40] : memref<1x128xf32, #tpu.memory_space<vmem>>, vector<1x128xf32>
    %add3A_42 = vector.broadcast %get3A_41 : vector<1x128xf32> to vector<1000x128xf32>
    %add3A_43 = arith.addf %dot_general3A_38, %add3A_42 : vector<1000x128xf32>
    %max3A = arith.constant 0.000000e+00 : f32
    %max3A_44 = vector.broadcast %max3A : f32 to vector<1000x128xf32>
    %max3A_45 = arith.maximumf %add3A_43, %max3A_44 : vector<1000x128xf32>
    %get3A_46 = arith.constant 0 : index
    %get3A_47 = arith.constant 0 : index
    %get3A_48 = vector.load %arg7[%get3A_46, %get3A_47] : memref<128x128xf32, #tpu.memory_space<vmem>>, vector<128x128xf32>
    %dot_general3A_49 = arith.constant dense<0.000000e+00> : vector<1000x128xf32>
    %dot_general3A_50 = tpu.matmul %max3A_45, %get3A_48, %dot_general3A_49 {dimension_numbers = #tpu.dot_dimension_numbers<[1], [0], [0], [1], [0, 0, 1, 1], [], []>, transpose_lhs_hint = false} : vector<1000x128xf32>, vector<128x128xf32>, vector<1000x128xf32> -> vector<1000x128xf32>
    %get3A_51 = arith.constant 0 : index
    %get3A_52 = arith.constant 0 : index
    %get3A_53 = vector.load %arg8[%get3A_51, %get3A_52] : memref<1x128xf32, #tpu.memory_space<vmem>>, vector<1x128xf32>
    %add3A_54 = vector.broadcast %get3A_53 : vector<1x128xf32> to vector<1000x128xf32>
    %add3A_55 = arith.addf %dot_general3A_50, %add3A_54 : vector<1000x128xf32>
    %reduce_sum3A = arith.constant dense<0.000000e+00> : vector<1000xf32>
    %reduce_sum3A_56 = vector.multi_reduction <add>, %add3A_55, %reduce_sum3A [1] : vector<1000x128xf32> to vector<1000xf32>
    %broadcast_in_dim3A = vector.shape_cast %reduce_sum3A_56 : vector<1000xf32> to vector<1000x1xf32>
    %div3A = arith.constant 1.280000e+02 : f32
    %div3A_57 = vector.broadcast %div3A : f32 to vector<1000x1xf32>
    %div3A_58 = arith.divf %broadcast_in_dim3A, %div3A_57 : vector<1000x1xf32>
    %sub3A = vector.broadcast %div3A_58 : vector<1000x1xf32> to vector<1000x128xf32>
    %sub3A_59 = arith.subf %add3A_55, %sub3A : vector<1000x128xf32>
    %mul3A_60 = arith.mulf %sub3A_59, %sub3A_59 : vector<1000x128xf32>
    %reduce_sum3A_61 = arith.constant dense<0.000000e+00> : vector<1000xf32>
    %reduce_sum3A_62 = vector.multi_reduction <add>, %mul3A_60, %reduce_sum3A_61 [1] : vector<1000x128xf32> to vector<1000xf32>
    %broadcast_in_dim3A_63 = vector.shape_cast %reduce_sum3A_62 : vector<1000xf32> to vector<1000x1xf32>
    %div3A_64 = arith.constant 1.280000e+02 : f32
    %div3A_65 = vector.broadcast %div3A_64 : f32 to vector<1000x1xf32>
    %div3A_66 = arith.divf %broadcast_in_dim3A_63, %div3A_65 : vector<1000x1xf32>
    %add3A_67 = arith.constant 9.99999974E-6 : f32
    %add3A_68 = vector.broadcast %add3A_67 : f32 to vector<1000x1xf32>
    %add3A_69 = arith.addf %div3A_66, %add3A_68 : vector<1000x1xf32>
    %rsqrt3A = math.rsqrt %add3A_69 : vector<1000x1xf32>
    %mul3A_70 = vector.broadcast %rsqrt3A : vector<1000x1xf32> to vector<1000x128xf32>
    %mul3A_71 = arith.mulf %sub3A_59, %mul3A_70 : vector<1000x128xf32>
    %get3A_72 = arith.constant 0 : index
    %get3A_73 = arith.constant 0 : index
    %get3A_74 = vector.load %arg10[%get3A_72, %get3A_73] : memref<1x128xf32, #tpu.memory_space<vmem>>, vector<1x128xf32>
    %mul3A_75 = vector.broadcast %get3A_74 : vector<1x128xf32> to vector<1000x128xf32>
    %mul3A_76 = arith.mulf %mul3A_71, %mul3A_75 : vector<1000x128xf32>
    %get3A_77 = arith.constant 0 : index
    %get3A_78 = arith.constant 0 : index
    %get3A_79 = vector.load %arg11[%get3A_77, %get3A_78] : memref<1x128xf32, #tpu.memory_space<vmem>>, vector<1x128xf32>
    %add3A_80 = vector.broadcast %get3A_79 : vector<1x128xf32> to vector<1000x128xf32>
    %add3A_81 = arith.addf %mul3A_76, %add3A_80 : vector<1000x128xf32>
    %swap3A = arith.constant 0 : index
    %swap3A_82 = arith.constant 0 : index
    %swap3A_83 = vector.load %arg12[%swap3A, %swap3A_82] : memref<1000x128xf32, #tpu.memory_space<vmem>>, vector<1000x128xf32>
    tpu.vector_store %arg12[%swap3A, %swap3A_82], %add3A_81 {strides = array<i32>} : memref<1000x128xf32, #tpu.memory_space<vmem>>, vector<1000x128xf32>,
    return
  }
  func.func @transform_0(%arg0: i32) -> (i32, i32) {
    %c0_i32 = arith.constant 0 : i32
    %c0_i32_0 = arith.constant 0 : i32
    return %arg0, %c0_i32 : i32, i32
  }
  func.func @transform_1(%arg0: i32) -> (i32, i32, i32) {
    %c0_i32 = arith.constant 0 : i32
    %c0_i32_0 = arith.constant 0 : i32
    %c0_i32_1 = arith.constant 0 : i32
    return %c0_i32, %arg0, %c0_i32_0 : i32, i32, i32
  }
  func.func @transform_2(%arg0: i32) -> (i32, i32, i32) {
    %c0_i32 = arith.constant 0 : i32
    %c0_i32_0 = arith.constant 0 : i32
    %c0_i32_1 = arith.constant 0 : i32
    return %c0_i32, %arg0, %c0_i32_0 : i32, i32, i32
  }
  func.func @transform_3(%arg0: i32) -> (i32, i32) {
    %c0_i32 = arith.constant 0 : i32
    %c0_i32_0 = arith.constant 0 : i32
    %c0_i32_1 = arith.constant 0 : i32
    return %c0_i32, %c0_i32_0 : i32, i32
  }
  func.func @transform_4(%arg0: i32) -> (i32, i32) {
    %c0_i32 = arith.constant 0 : i32
    %c0_i32_0 = arith.constant 0 : i32
    %c0_i32_1 = arith.constant 0 : i32
    return %c0_i32, %c0_i32_0 : i32, i32
  }
  func.func @transform_5(%arg0: i32) -> (i32, i32) {
    %c0_i32 = arith.constant 0 : i32
    %c0_i32_0 = arith.constant 0 : i32
    %c0_i32_1 = arith.constant 0 : i32
    return %c0_i32, %c0_i32_0 : i32, i32
  }
  func.func @transform_6(%arg0: i32) -> (i32, i32) {
    %c0_i32 = arith.constant 0 : i32
    %c0_i32_0 = arith.constant 0 : i32
    %c0_i32_1 = arith.constant 0 : i32
    return %c0_i32, %c0_i32_0 : i32, i32
  }
  func.func @transform_7(%arg0: i32) -> (i32, i32) {
    %c0_i32 = arith.constant 0 : i32
    %c0_i32_0 = arith.constant 0 : i32
    %c0_i32_1 = arith.constant 0 : i32
    return %c0_i32, %c0_i32_0 : i32, i32
  }
  func.func @transform_8(%arg0: i32) -> (i32, i32) {
    %c0_i32 = arith.constant 0 : i32
    %c0_i32_0 = arith.constant 0 : i32
    %c0_i32_1 = arith.constant 0 : i32
    return %c0_i32, %c0_i32_0 : i32, i32
  }
  func.func @transform_9(%arg0: i32) -> (i32, i32) {
    %c0_i32 = arith.constant 0 : i32
    %c0_i32_0 = arith.constant 0 : i32
    %c0_i32_1 = arith.constant 0 : i32
    return %c0_i32, %c0_i32_0 : i32, i32
  }
  func.func @transform_10(%arg0: i32) -> (i32, i32) {
    %c0_i32 = arith.constant 0 : i32
    %c0_i32_0 = arith.constant 0 : i32
    %c0_i32_1 = arith.constant 0 : i32
    return %c0_i32, %c0_i32_0 : i32, i32
  }
  func.func @transform_11(%arg0: i32) -> (i32, i32) {
    %c0_i32 = arith.constant 0 : i32
    %c0_i32_0 = arith.constant 0 : i32
    return %arg0, %c0_i32 : i32, i32
  }
}

</mosaic_0001>

<sc_bundles>
// kernel: kernel.5.cloned.1.call-start
scs
__scs_entry_jumppad:
0x0: {  	(pc) =	sbr.rel $0x88, $3  }
0x1: {  	(tag) =	ssettag $0x0;
	lr =	simm.s32 $0x1  }
0x2: {  	[smem:$0x3F95] =	sst lr;
	_ =	strace $0xD0000000  }
0x3: {  	_ = 	snop  }
0x4: {  	_ = 	snop  }
0x5: {  	_ = 	snop  }
0x6: {  	_ = 	snop  }
0x7: {  	_ = 	snop  }
__scs_overlays_trampoline_lowered:
0x8: {  	[smem:$0x3FA4] =	sst s0  }
0x9: {  	[smem:$0x3FA5] =	sst s1  }
0xa: {  	[smem:$0x3FA6] =	sst s2  }
0xb: {  	[smem:$0x3FA7] =	sst s3  }
0xc: {  	[smem:$0x3FA8] =	sst s4  }
0xd: {  	[smem:$0x3FA9] =	sst s5  }
0xe: {  	[smem:$0x3FAA] =	sst s6  }
0xf: {  	[smem:$0x3FAB] =	sst s7  }
0x10: {  	[smem:$0x3FAC] =	sst s8  }
0x11: {  	[smem:$0x3FAD] =	sst s9;
	s0 =	simm.s32 @!p0 $0x0  }
0x12: {  	s1 =	sld [smem:$0x3F93];
	s0 =	simm.s32 @p0 $0x1  }
0x13: {  	[smem:$0x3FAE] =	sst s0;
	s0 =	simm.s32 @!p1 $0x0  }
0x14: {  	s2 =	sld [smem:$0x3F92];
	s0 =	simm.s32 @p1 $0x1  }
0x15: {  	[smem:$0x3FAF] =	sst s0;
	s0 =	simm.s32 @!p2 $0x0  }
0x16: {  	s3 =	sld [smem:$0x3FDB];
	s0 =	simm.s32 @p2 $0x1  }
0x17: {  	s4 =	simm.s32 $0x1BF5;
	[smem:$0x3FB1] =	sst s0  }
0x18: {  	s0 =	sld [smem:$0x3F94];
	_ =	swait.ge [sflag:s4], $0x0  }
0x19: {  	s7 =	sld [smem:$0x3F95]  }
0x1a: {  	s8 =	sadd.s32 $0xFFFFE003, lr  }
0x1b: {  	s9 =	sadd.s32 $0xFFFFFEF7, lr;
	s5 =	simm.s32 $0xFFFFFFFF;
	p2 =	slt.u32 s8, $0xFFFFF086  }
0x1c: {  	p1 =	slt.u32 s9, $0xF7A;
	s5 =	simm.s32 @!p2 $0x0  }
0x1d: {  	s5 =	simm.s32 @p1 $0x1;
	p0 =	seq.s32 s7, s2  }
0x1e: {  	s7 =	smul.u32 @!p0 $0xF7A, s2;
	p2 =	seq.s32 @!p0 s5, $0x0  }
0x1f: {  	s9 =	smul.u32 $0xF7A, s1;
	s8 =	simm.s32 @!p0 $0x1BF5;
	p2 =	por !p2, p0  }
0x20: {  	[sflag:s8] =	ssyncset.s32 @!p0 $0xFFFFF086;
	s6 =	sadd.s32 @!p0 s3, s7;
	s7 =	simm.s32 @!p0 $0x108  }
0x21: {  	s3 =	sadd.s32 s3, s9;
	s6 =	sadd.s32 @!p0 $0x88, s6;
	s7 =	simm.s32 @p2 $0x1082  }
0x22: {  	[simem:s7], [sflag:s8] =	dma.local @!p0 [hbm:s6], $0xF7A  }
0x23: {  	s9 =	sor.u32 $0xD0000000, s2;
	s6 =	simm.s32 $0x108;
	_ =	swait.ge @!p0 [sflag:s8], $0x0  }
0x24: {  	s3 =	sadd.s32 $0x88, s3;
	s6 =	simm.s32 @!p1 $0x1082;
	[sflag:s4] =	ssyncset.s32 $0xFFFFF086  }
0x25: {  	[simem:s6], [sflag:s4] =	dma.local [hbm:s3], $0xF7A  }
0x26: {  	[smem:$0x3F95] =	sst s1;
	(tag) =	ssettag s2;
	_ =	strace s9  }
0x27: {  	s1 =	sld [smem:$0x3FA5]  }
0x28: {  	s2 =	sld [smem:$0x3FA6]  }
0x29: {  	s4 =	sld [smem:$0x3FA8]  }
0x2a: {  	p0 =	seq.s32 s5, $0x0;
	s5 =	sld [smem:$0x3FA9]  }
0x2b: {  	s6 =	sld [smem:$0x3FAA]  }
0x2c: {  	s7 =	sld [smem:$0x3FAB]  }
0x2d: {  	s3 =	simm.s32 $0x108;
	s8 =	sld [smem:$0x3FAC]  }
0x2e: {  	s3 =	simm.s32 @!p0 $0x1082;
	s9 =	sld [smem:$0x3FAD]  }
0x2f: {  	lr =	sadd.s32 s0, s3;
	s0 =	sld [smem:$0x3FA4]  }
0x30: {  	s3 =	sld [smem:$0x3FA7]  }
0x31: {  	[smem:$0x3FB0] =	sst s10  }
0x32: {  	s10 =	sld [smem:$0x3FAE];
	_ =	sdelay $0x3  }
0x33: {  	p0 =	seq.s32 s10, $0x1;
	s10 =	sld [smem:$0x3FB0];
	_ =	sdelay $0x3  }
0x34: {  	[smem:$0x3FB0] =	sst s10  }
0x35: {  	s10 =	sld [smem:$0x3FAF];
	_ =	sdelay $0x3  }
0x36: {  	p1 =	seq.s32 s10, $0x1;
	s10 =	sld [smem:$0x3FB0];
	_ =	sdelay $0x3  }
0x37: {  	[smem:$0x3FB0] =	sst s10  }
0x38: {  	s10 =	sld [smem:$0x3FB1]  }
0x39: {  	_ = 	snop;
	(pc) =	sbr.ind lr, $3  }
0x3a: {  	_ = 	snop  }
0x3b: {  	_ = 	snop  }
0x3c: {  	p2 =	seq.s32 s10, $0x1;
	s10 =	sld [smem:$0x3FB0]  }
0x3d: {  	_ =	shalt  }
0x3e: {  	_ =	shalt  }
0x3f: {  	_ =	shalt  }
0x40: {  	_ =	shalt  }
0x41: {  	_ =	shalt  }
0x42: {  	_ =	shalt  }
0x43: {  	_ =	shalt  }
0x44: {  	_ =	shalt  }
0x45: {  	_ =	shalt  }
0x46: {  	_ =	shalt  }
0x47: {  	_ =	shalt  }
0x48: {  	_ =	shalt  }
0x49: {  	_ =	shalt  }
0x4a: {  	_ =	shalt  }
0x4b: {  	_ =	shalt  }
0x4c: {  	_ =	shalt  }
0x4d: {  	_ =	shalt  }
0x4e: {  	_ =	shalt  }
0x4f: {  	_ =	shalt  }
0x50: {  	_ =	shalt  }
0x51: {  	_ =	shalt  }
0x52: {  	_ =	shalt  }
0x53: {  	_ =	shalt  }
0x54: {  	_ =	shalt  }
0x55: {  	_ =	shalt  }
0x56: {  	_ =	shalt  }
0x57: {  	_ =	shalt  }
0x58: {  	_ =	shalt  }
0x59: {  	_ =	shalt  }
0x5a: {  	_ =	shalt  }
0x5b: {  	_ =	shalt  }
0x5c: {  	_ =	shalt  }
0x5d: {  	_ =	shalt  }
0x5e: {  	_ =	shalt  }
0x5f: {  	_ =	shalt  }
0x60: {  	_ =	shalt  }
0x61: {  	_ =	shalt  }
0x62: {  	_ =	shalt  }
0x63: {  	_ =	shalt  }
0x64: {  	_ =	shalt  }
0x65: {  	_ =	shalt  }
0x66: {  	_ =	shalt  }
0x67: {  	_ =	shalt  }
0x68: {  	_ =	shalt  }
0x69: {  	_ =	shalt  }
0x6a: {  	_ =	shalt  }
0x6b: {  	_ =	shalt  }
0x6c: {  	_ =	shalt  }
0x6d: {  	_ =	shalt  }
0x6e: {  	_ =	shalt  }
0x6f: {  	_ =	shalt  }
0x70: {  	_ =	shalt  }
0x71: {  	_ =	shalt  }
0x72: {  	_ =	shalt  }
0x73: {  	_ =	shalt  }
0x74: {  	_ =	shalt  }
0x75: {  	_ =	shalt  }
0x76: {  	_ =	shalt  }
0x77: {  	_ =	shalt  }
0x78: {  	_ =	shalt  }
0x79: {  	_ =	shalt  }
0x7a: {  	_ =	shalt  }
0x7b: {  	_ =	shalt  }
0x7c: {  	_ =	shalt  }
0x7d: {  	_ =	shalt  }
0x7e: {  	_ =	shalt  }
0x7f: {  	_ =	shalt  }
0x80: {  	_ =	shalt  }
0x81: {  	_ =	shalt  }
0x82: {  	_ =	shalt  }
0x83: {  	_ =	shalt  }
0x84: {  	_ =	shalt  }
0x85: {  	_ =	shalt  }
0x86: {  	_ =	shalt  }
0x87: {  	_ =	shalt  }
.Lfunc_end0:
.L_simem_size_0:
called_computation_lowered:
.L_overlay_start_0:
0x88: {  	s2 =	sld [smem:$0x3FD9]  }
0x89: {  	s3 =	sld [smem:$0x3FFE];
	_ =	sdelay $0x1  }
0x8a: {  	s1 =	srdreg.scid  }
0x8b: {  	s0 =	sand.u32 $0x1, s1  }
0x8c: {  	s17 =	sshll.u32 s0, $0xA;
	s2 =	sadd.s32 s3, s2  }
0x8d: {  	s2 =	sadd.s32 s2, s17  }
0x8e: {  	[smem:$0x3FBC] =	sst s2  }
0x8f: {  	_ = 	snop  }
0x90: {  	s18 =	sld [smem:$0x3FD0];
	(tm) =	ssettm $0x1  }
0x91: {  	s19 =	sld [smem:$0x3FFB];
	_ =	sdelay $0x3  }
0x92: {  	_ =	strace s19  }
0x93: {  	s2 =	sld [smem:$0x3FFC];
	_ =	sdelay $0x3  }
0x94: {  	_ =	strace s2  }
0x95: {  	s2 =	sld [smem:$0x3FFD];
	_ =	sdelay $0x3  }
0x96: {  	_ =	strace s2  }
0x97: {  	_ =	strace $0x8FFFFFFF  }
0x98: {  	s20 =	sld [smem:$0x3FDB];
	_ =	sdelay $0x1  }
0x99: {  	s4 =	simm.s32 $_scs_section_size  }
0x9a: {  	s5 =	simm.s32 $_size__tile_overlayer_lowered;
	s6 =	simm.s32 $_tile_overlayer_lowered  }
0x9b: {  	s7 =	simm.s32 $0x1BFF;
	s21 =	sshll.u32 s6, $0x1;
	s4 =	sadd.s32 s4, s20  }
0x9c: {  	s22 =	simm.s32 $0x0;
	s5 =	sshll.u32 s5, $0x1;
	s6 =	sadd.s32 s21, s4  }
0x9d: {  	[timem:s22], [sflag:s7] =	dma.local [hbm:s6], s5  }
0x9e: {  	_ =	swait.ge [sflag:s7], s5  }
0x9f: {  	s5 =	ssub.s32 $0x0, s5;
	[sflag:s7] =	ssyncset.done $0x0  }
0xa0: {  	[sflag:s7] =	ssyncadd.s32 s5;
	_ =	sdelay $0x1  }
0xa1: {  	s23 =	simm.s32 $0x1B8B  }
0xa2: {  	_ =	swait.ge [sflag:s23], $0x1  }
0xa3: {  	[sflag:s23] =	ssyncset.done $0x0  }
0xa4: {  	[sflag:s23] =	ssyncadd.s32 $0xFFFFFFFF  }
0xa5: {  	s5 =	sld [smem:$0x0]  }
0xa6: {  	s6 =	sand.u32 $0xFFFFFFFE, s1  }
0xa7: {  	p0 =	sne.s32 s1, s6  }
0xa8: {  	s6 =	sshll.u32 @p0 s6, $0xE  }
0xa9: {  	s6 =	sadd.s32 @p0 $0x11B8D, s6;
	s7 =	sshll.u32 @p0 s5, $0x11  }
0xaa: {  	s6 =	sor.u32 @p0 s7, s6  }
0xab: {  	[sflag:s6] =	ssyncadd.remote.s32 @p0 $0x1;
	_ =	sdelay $0x1  }
0xac: {  	s6 =	simm.s32 @p0 $0x1B8D  }
0xad: {  	_ =	swait.eq @p0 [sflag:s6], $0x1  }
0xae: {  	[sflag:s6] =	ssyncadd.s32 @p0 $0xFFFFFFFF  }
0xaf: {  	s7 =	sshll.u32 @!p0 s1, $0xE  }
0xb0: {  	s7 =	sor.u32 @!p0 $0x4000, s7;
	s6 =	simm.s32 @!p0 $0x1B8D  }
0xb1: {  	s5 =	sshll.u32 @!p0 s5, $0x11;
	s7 =	sadd.s32 @!p0 $0x11B8D, s7;
	_ =	swait.eq @!p0 [sflag:s6], $0x1  }
0xb2: {  	s5 =	sor.u32 @!p0 s5, s7;
	[sflag:s6] =	ssyncadd.s32 @!p0 $0xFFFFFFFF  }
0xb3: {  	s25 =	simm.s32 $0x1B8E;
	s24 =	sld [smem:$0x3FFE];
	[sflag:s5] =	ssyncadd.remote.s32 @!p0 $0x1  }
0xb4: {  	s26 =	simm.s32 $execute0_lowered;
	[smem:$0x3FD2] =	sst s25  }
0xb5: {  	s6 =	sshll.u32 s26, $0x1;
	_ =	strace $0x80000049;
	[dreg:$0x1] =	wrdreg $0xFFFFFFFF  }
0xb6: {  	s28 =	simm.s32 $_size_execute0_lowered;
	s4 =	sadd.s32 s4, s6;
	[dreg:$0x0] =	wrdreg $0x0  }
0xb7: {  	s6 =	sshll.u32 s28, $0x1;
	[dreg:$0x2] =	wrdreg s4  }
0xb8: {  	[dreg:$0x3] =	wrdreg s6  }
0xb9: {  	[dreg:$0x4] =	wrdreg $0xC0  }
0xba: {  	_ =	task [dreg:s22], $0x5FFFF  }
0xbb: {  	[dreg:$0x1] =	wrdreg $0xFFFFFFFF  }
0xbc: {  	[dreg:$0x0] =	wrdreg $0x60  }
0xbd: {  	[dreg:$0x2] =	wrdreg s18  }
0xbe: {  	[dreg:$0x3] =	wrdreg s24  }
0xbf: {  	[dreg:$0x4] =	wrdreg $0x0  }
0xc0: {  	[dreg:$0x5] =	wrdreg $0x9  }
0xc1: {  	_ =	task.clear_ibuf [dreg:s22], $0x6FFFF;
	_ =	strace $0x90000049  }
0xc2: {  	s29 =	simm.s32 $0x9;
	_ =	strace $0x8000004B  }
0xc3: {  	_ =	swait.ge [sflag:s29], $0x1  }
0xc4: {  	[sflag:s29] =	ssyncadd.s32 $0xFFFFFFFF  }
0xc5: {  	_ =	strace $0x9000004B  }
0xc6: {  	_ =	sfence  }
0xc7: {  	s30 =	sld [smem:$0x0];
	_ =	sdelay $0x2  }
0xc8: {  	s31 =	sshll.u32 s1, $0xD;
	s1 =	sshrl.u32 s1, $0x2  }
0xc9: {  	s4 =	sand.u32 $0x4000, s31;
	s1 =	sadd.s32 s1, s30  }
0xca: {  	s0 =	sor.u32 s4, s0;
	s1 =	sshll.u32 s1, $0x11  }
0xcb: {  	s0 =	sor.u32 s1, s0  }
0xcc: {  	s0 =	sadd.s32 $0x8F2B, s0  }
0xcd: {  	[sflag:s0] =	ssyncadd.remote.s32 $0x1  }
0xce: {  	_ =	sfence.sel $0xFFFF  }
0xcf: {  	[dreg:$0x0] =	wrdreg $0xFFFFFFFF;
	(pc) =	sbr.abs _section_cstart, $3  }
0xd0: {  	[dreg:$0x1] =	wrdreg $0xFFFFFFFF  }
0xd1: {  	_ =	task.clear_ibuf [dreg:s22], $0x2FFFF;
	_ =	strace $0x9FFFFFFF  }
0xd2: {  	(tm) =	ssettm $0x7FFFFFFF  }
0xd3: {  	_ =	shalt  }
tec
execute0_lowered:
.L_overlay_start_1:
0x0: {  	(tag) =	ssettag $0x1  }
0x1: {  	s1 =	rddreg [dreg:$0x0]  }
0x2: {  	s0 =	rddreg [dreg:$0x1]  }
0x3: {  	s3 =	rddreg [dreg:$0x2]  }
0x4: {  	s2 =	srdreg.scid;
	s11 =	stileid.u32;
	s4 =	simm.s32 $0x0  }
0x5: {  	s28 =	simm.s32 $0x13DE0;
	s29 =	simm.s32 $0x2;
	s30 =	simm.s32 $0x165E0  }
0x6: {  	s31 =	simm.s32 $0x13CA0;
	s2 =	sand.u32 $0x1, s2;
	s5 =	smul.u32 $0x13C00, s11  }
0x7: {  	[smem:$0x7FF] =	sst s4;
	s9 =	sadd.s32 $0x2200, s0;
	s17 =	smul.u32 $0x9C4, s11  }
0x8: {  	s7 =	sshll.u32 s11, $0x1;
	s12 =	sadd.s32 $0x20000, s0;
	s6 =	smul.u32 $0x13C000, s2  }
0x9: {  	_ =	strace $0x8000004A;
	s8 =	ssub.s32 $0x2, s2;
	s23 =	smul.u32 $0x2710, s2  }
0xa: {  	s7 =	sor.u32 s2, s7;
	[dreg:$0xb] =	wrdreg s12;
	s2 =	smul.u32 $0x4E2, s2  }
0xb: {  	s7 =	smul.u32 $0x2710, s7;
	s6 =	sadd.s32 s5, s6;
	s5 =	sadd.s32 s5, s3  }
0xc: {  	s10 =	sshrl.u32 s8, $0x1;
	s6 =	sshrl.u32 s6, $0x3;
	[dreg:$0xc] =	wrdreg s5  }
0xd: {  	s16 =	sshrl.u32 s7, $0x3;
	s5 =	sadd.s32 s17, s9;
	s0 =	sadd.s32 s6, s0  }
0xe: {  	s6 =	ssub.s32 s8, s10;
	s8 =	sadd.s32 s9, s16;
	s2 =	sadd.s32 s2, s5  }
0xf: {  	s15 =	sshll.u32 s11, $0x6;
	s18 =	sadd.s32 $0x9C40, s8;
	[dreg:$0x4] =	wrdreg s2  }
0x10: {  	s20 =	smul.u32 $0x4E20, s11;
	s19 =	sadd.s32 $0xA, s8;
	[dreg:$0xd] =	wrdreg s18  }
0x11: {  	s11 =	simm.s32 $0x0;
	s21 =	sadd.s32 $0x9C4A, s8;
	[dreg:$0xe] =	wrdreg s19  }
0x12: {  	s7 =	sor.u32 $0x1C08, s15;
	s22 =	sadd.s32 $0x14, s8;
	[dreg:$0xf] =	wrdreg s21  }
0x13: {  	s10 =	sadd.s32 s23, s20;
	s24 =	sadd.s32 $0x9C54, s8;
	[dreg:$0x10] =	wrdreg s22  }
0x14: {  	s25 =	sadd.s32 $0x1E, s8;
	s26 =	sadd.s32 $0x9C5E, s8;
	[dreg:$0x11] =	wrdreg s24  }
0x15: {  	s12 =	sadd.s32 $0x4D8, s8;
	s13 =	sadd.s32 $0x4E4D0, s10;
	[dreg:$0x12] =	wrdreg s25  }
0x16: {  	s15 =	sadd.s32 $0x4E480, s10;
	s16 =	sadd.s32 $0x4E430, s10;
	[dreg:$0x13] =	wrdreg s26  }
0x17: {  	s20 =	sadd.s32 $0x4E3E0, s10;
	[dreg:$0x14] =	wrdreg s12;
	s14 =	sshrl.u32 s13, $0x3  }
0x18: {  	s5 =	sshrl.u32 s15, $0x3;
	s18 =	sshrl.u32 s16, $0x3;
	s21 =	sshrl.u32 s20, $0x3  }
0x19: {  	s22 =	sadd.s32 $0x4E390, s10;
	s10 =	sadd.s32 $0x4E340, s10;
	s25 =	sadd.s32 $0xA118, s8  }
0x1a: {  	s20 =	simm.s32 $0x8;
	s2 =	sadd.s32 s14, s9;
	s17 =	sadd.s32 s5, s9  }
0x1b: {  	s19 =	sadd.s32 s18, s9;
	s5 =	sshrl.u32 s22, $0x3;
	[dreg:$0x15] =	wrdreg s25  }
0x1c: {  	s24 =	sshrl.u32 s10, $0x3;
	s18 =	sadd.s32 $0x22800, s0;
	[dreg:$0x5] =	wrdreg s2  }
0x1d: {  	s22 =	simm.s32 $0x13CF0;
	s25 =	simm.s32 $0x1;
	[dreg:$0x6] =	wrdreg s17  }
0x1e: {  	s0 =	simm.s32 $0x13D90;
	s10 =	simm.s32 $0x7;
	[dreg:$0x7] =	wrdreg s19  }
0x1f: {  	s2 =	sadd.s32 s21, s9;
	s23 =	sadd.s32 s5, s9;
	s26 =	sadd.s32 s24, s9  }
0x20: {  	s19 =	smax.u32 s6, $0x1;
	s21 =	simm.s32 $0x13C00;
	[dreg:$0x8] =	wrdreg s2  }
0x21: {  	s24 =	simm.s32 $0x13D40;
	s5 =	simm.s32 $0x3;
	[dreg:$0x9] =	wrdreg s23  }
0x22: {  	s6 =	simm.s32 $0x6;
	s9 =	simm.s32 $0x5;
	[dreg:$0xa] =	wrdreg s26  }
0x23: {  	s23 =	simm.s32 $0x13C50;
	s26 =	simm.s32 $0x50;
	s2 =	simm.s32 $0x4  }
.LBB2_1:
0x24: {  	s12 =	rddreg [dreg:$0xc]  }
0x25: {  	s13 =	rddreg [dreg:$0xb];
	s12 =	sshrl.u32 s12, $0x3  }
0x26: {  	[spmem:s12], [sflag:s7] =	dma.local [hbm:s13], $0x2780  }
0x27: {  	_ =	swait.ge [sflag:s20], $0x2780  }
0x28: {  	[sflag:s20] =	ssyncset.done $0x0  }
0x29: {  	[sflag:s20] =	ssyncadd.s32 $0xFFFFD880  }
0x2a: {  	[bflag:$0x0] =	sbarrier.arrive $0xFFFF  }
0x2b: {  	[tilespmem:s21], [sflag:$0x1] =	stream.linear.gather [hbm4b:s8+s4], $0x50, $0x38;
	[tilespmem:$0x18DE0] =	vst v63  }
0x2c: {  	s16 =	rddreg [dreg:$0xd]  }
0x2d: {  	[tilespmem:s22], [sflag:$0x1] =	stream.linear.gather [hbm4b:s16+s4], $0x50, $0x38;
	[tilespmem:$0x18DE0] =	vst v63  }
0x2e: {  	s17 =	rddreg [dreg:$0xe]  }
0x2f: {  	[tilespmem:s23], [sflag:$0x2] =	stream.linear.gather [hbm4b:s17+s4], $0x50, $0x38;
	[tilespmem:$0x18DE0] =	vst v63  }
0x30: {  	s14 =	rddreg [dreg:$0xf]  }
0x31: {  	[tilespmem:s24], [sflag:$0x2] =	stream.linear.gather [hbm4b:s14+s4], $0x50, $0x38;
	[tilespmem:$0x18DE0] =	vst v63  }
0x32: {  	_ =	swait.ge [sflag:s25], $0x50  }
0x33: {  	[sflag:s25] =	ssyncset.done $0x0  }
0x34: {  	[sflag:s25] =	ssyncadd.s32 $0xFFFFFFB0  }
0x35: {  	_ =	swait.ge [sflag:s25], $0x50  }
0x36: {  	[sflag:s25] =	ssyncset.done $0x0  }
0x37: {  	[sflag:s25] =	ssyncadd.s32 $0xFFFFFFB0  }
0x38: {  	[tilespmem:s28], [sflag:$0x4] =	stream.indirect.gather [hbm4b:s1+s26], $0x80, s22, s26, $0xb8;
	[tilespmem:$0x18DE0] =	vst v63  }
0x39: {  	_ =	swait.ge [sflag:s29], $0x50  }
0x3a: {  	[sflag:s29] =	ssyncset.done $0x0  }
0x3b: {  	[sflag:s29] =	ssyncadd.s32 $0xFFFFFFB0  }
0x3c: {  	_ =	swait.ge [sflag:s29], $0x50  }
0x3d: {  	[sflag:s29] =	ssyncset.done $0x0  }
0x3e: {  	[sflag:s29] =	ssyncadd.s32 $0xFFFFFFB0  }
0x3f: {  	[tilespmem:s30], [sflag:$0x5] =	stream.indirect.gather [hbm4b:s1+s26], $0x80, s24, s26, $0xb8;
	[tilespmem:$0x18DE0] =	vst v63  }
0x40: {  	s15 =	rddreg [dreg:$0x10]  }
0x41: {  	[tilespmem:s31], [sflag:$0x3] =	stream.linear.gather [hbm4b:s15+s4], $0x50, $0x38;
	[tilespmem:$0x18DE0] =	vst v63  }
0x42: {  	s16 =	rddreg [dreg:$0x11]  }
0x43: {  	[tilespmem:s0], [sflag:$0x3] =	stream.linear.gather [hbm4b:s16+s4], $0x50, $0x38;
	[tilespmem:$0x18DE0] =	vst v63  }
0x44: {  	_ =	swait.ge [sflag:s2], $0x2800  }
0x45: {  	[sflag:s2] =	ssyncset.done $0x0  }
0x46: {  	[sflag:s2] =	ssyncadd.s32 $0xFFFFD800  }
0x47: {  	[spmem:s3] =	stream.indirect.scatter.add.f32 [tilespmem:s28], [sflag:$0x6], $0x80, s21, s26, $0xb8;
	[tilespmem:$0x18DE0] =	vst v63  }
0x48: {  	_ =	swait.ge [sflag:s5], $0x50  }
0x49: {  	[sflag:s5] =	ssyncset.done $0x0  }
0x4a: {  	[sflag:s5] =	ssyncadd.s32 $0xFFFFFFB0  }
0x4b: {  	_ =	swait.ge [sflag:s5], $0x50  }
0x4c: {  	[sflag:s5] =	ssyncset.done $0x0  }
0x4d: {  	[sflag:s5] =	ssyncadd.s32 $0xFFFFFFB0  }
0x4e: {  	_ =	swait.ge [sflag:s6], $0x2800  }
0x4f: {  	[sflag:s6] =	ssyncset.done $0x0  }
0x50: {  	[sflag:s6] =	ssyncadd.s32 $0xFFFFD800  }
0x51: {  	[tilespmem:s28], [sflag:$0x4] =	stream.indirect.gather [hbm4b:s1+s26], $0x80, s0, s26, $0xb8;
	[tilespmem:$0x18DE0] =	vst v63  }
0x52: {  	s17 =	rddreg [dreg:$0x12]  }
0x53: {  	[tilespmem:s21], [sflag:$0x1] =	stream.linear.gather [hbm4b:s17+s4], $0x50, $0x38;
	[tilespmem:$0x18DE0] =	vst v63  }
0x54: {  	s14 =	rddreg [dreg:$0x13]  }
0x55: {  	[tilespmem:s22], [sflag:$0x1] =	stream.linear.gather [hbm4b:s14+s4], $0x50, $0x38;
	[tilespmem:$0x18DE0] =	vst v63  }
0x56: {  	_ =	swait.ge [sflag:s9], $0x2800  }
0x57: {  	[sflag:s9] =	ssyncset.done $0x0  }
0x58: {  	[sflag:s9] =	ssyncadd.s32 $0xFFFFD800  }
0x59: {  	[spmem:s3] =	stream.indirect.scatter.add.f32 [tilespmem:s30], [sflag:$0x7], $0x80, s23, s26, $0xb8;
	[tilespmem:$0x18DE0] =	vst v63  }
0x5a: {  	_ =	swait.ge [sflag:s25], $0x50  }
0x5b: {  	[sflag:s25] =	ssyncset.done $0x0  }
0x5c: {  	[sflag:s25] =	ssyncadd.s32 $0xFFFFFFB0  }
0x5d: {  	_ =	swait.ge [sflag:s25], $0x50  }
0x5e: {  	[sflag:s25] =	ssyncset.done $0x0  }
0x5f: {  	[sflag:s25] =	ssyncadd.s32 $0xFFFFFFB0  }
0x60: {  	_ =	swait.ge [sflag:s10], $0x2800  }
0x61: {  	[sflag:s10] =	ssyncset.done $0x0;
	s15 =	rddreg [dreg:$0x4]  }
0x62: {  	[sflag:s10] =	ssyncadd.s32 $0xFFFFD800;
	s13 =	sadd.s32 $0x0, s15  }
0x63: {  	[tilespmem:s30], [sflag:$0x5] =	stream.indirect.gather [hbm4b:s1+s26], $0x80, s22, s26, $0xb8;
	[tilespmem:$0x18DE0] =	vst v63  }
0x64: {  	s14 =	rddreg [dreg:$0xa];
	s15 =	sadd.s32 $0x28, s13  }
0x65: {  	[tilespmem:s23], [sflag:$0x2] =	stream.linear.gather [hbm4b:s15+s4], $0x50, $0x38;
	[tilespmem:$0x18DE0] =	vst v63  }
0x66: {  	s14 =	sadd.s32 $0x0, s14  }
0x67: {  	[tilespmem:s24], [sflag:$0x2] =	stream.linear.gather [hbm4b:s14+s4], $0x50, $0x38;
	[tilespmem:$0x18DE0] =	vst v63  }
0x68: {  	_ =	swait.ge [sflag:s2], $0x2800  }
0x69: {  	[sflag:s2] =	ssyncset.done $0x0  }
0x6a: {  	[sflag:s2] =	ssyncadd.s32 $0xFFFFD800  }
0x6b: {  	[spmem:s3] =	stream.indirect.scatter.add.f32 [tilespmem:s28], [sflag:$0x6], $0x80, s31, s26, $0xb8;
	[tilespmem:$0x18DE0] =	vst v63  }
0x6c: {  	_ =	swait.ge [sflag:s29], $0x50  }
0x6d: {  	[sflag:s29] =	ssyncset.done $0x0  }
0x6e: {  	[sflag:s29] =	ssyncadd.s32 $0xFFFFFFB0  }
0x6f: {  	_ =	swait.ge [sflag:s29], $0x50  }
0x70: {  	[sflag:s29] =	ssyncset.done $0x0  }
0x71: {  	[sflag:s29] =	ssyncadd.s32 $0xFFFFFFB0  }
0x72: {  	_ =	swait.ge [sflag:s6], $0x2800  }
0x73: {  	[sflag:s6] =	ssyncset.done $0x0  }
0x74: {  	[sflag:s6] =	ssyncadd.s32 $0xFFFFD800  }
0x75: {  	[tilespmem:s28], [sflag:$0x4] =	stream.indirect.gather [hbm4b:s1+s26], $0x80, s24, s26, $0xb8;
	[tilespmem:$0x18DE0] =	vst v63  }
0x76: {  	s17 =	sadd.s32 $0x32, s13;
	s16 =	rddreg [dreg:$0x9]  }
0x77: {  	[tilespmem:s31], [sflag:$0x3] =	stream.linear.gather [hbm4b:s17+s4], $0x50, $0x38;
	[tilespmem:$0x18DE0] =	vst v63  }
0x78: {  	s14 =	sadd.s32 $0x0, s16  }
0x79: {  	[tilespmem:s0], [sflag:$0x3] =	stream.linear.gather [hbm4b:s14+s4], $0x50, $0x38;
	[tilespmem:$0x18DE0] =	vst v63  }
0x7a: {  	_ =	swait.ge [sflag:s9], $0x2800  }
0x7b: {  	[sflag:s9] =	ssyncset.done $0x0  }
0x7c: {  	[sflag:s9] =	ssyncadd.s32 $0xFFFFD800  }
0x7d: {  	[spmem:s3] =	stream.indirect.scatter.add.f32 [tilespmem:s30], [sflag:$0x7], $0x80, s21, s26, $0xb8;
	[tilespmem:$0x18DE0] =	vst v63  }
0x7e: {  	_ =	swait.ge [sflag:s5], $0x50  }
0x7f: {  	[sflag:s5] =	ssyncset.done $0x0  }
0x80: {  	[sflag:s5] =	ssyncadd.s32 $0xFFFFFFB0  }
0x81: {  	_ =	swait.ge [sflag:s5], $0x50  }
0x82: {  	[sflag:s5] =	ssyncset.done $0x0  }
0x83: {  	[sflag:s5] =	ssyncadd.s32 $0xFFFFFFB0  }
0x84: {  	_ =	swait.ge [sflag:s10], $0x2800  }
0x85: {  	[sflag:s10] =	ssyncset.done $0x0  }
0x86: {  	[sflag:s10] =	ssyncadd.s32 $0xFFFFD800  }
0x87: {  	[tilespmem:s30], [sflag:$0x5] =	stream.indirect.gather [hbm4b:s1+s26], $0x80, s0, s26, $0xb8;
	[tilespmem:$0x18DE0] =	vst v63  }
0x88: {  	s17 =	sadd.s32 $0x3C, s13;
	s16 =	rddreg [dreg:$0x8]  }
0x89: {  	[tilespmem:s21], [sflag:$0x1] =	stream.linear.gather [hbm4b:s17+s4], $0x50, $0x38;
	[tilespmem:$0x18DE0] =	vst v63  }
0x8a: {  	s14 =	sadd.s32 $0x0, s16  }
0x8b: {  	[tilespmem:s22], [sflag:$0x1] =	stream.linear.gather [hbm4b:s14+s4], $0x50, $0x38;
	[tilespmem:$0x18DE0] =	vst v63  }
0x8c: {  	_ =	swait.ge [sflag:s2], $0x2800  }
0x8d: {  	[sflag:s2] =	ssyncset.done $0x0  }
0x8e: {  	[sflag:s2] =	ssyncadd.s32 $0xFFFFD800  }
0x8f: {  	[spmem:s3] =	stream.indirect.scatter.add.f32 [tilespmem:s28], [sflag:$0x6], $0x80, s23, s26, $0xb8;
	[tilespmem:$0x18DE0] =	vst v63  }
0x90: {  	_ =	swait.ge [sflag:s25], $0x50  }
0x91: {  	[sflag:s25] =	ssyncset.done $0x0  }
0x92: {  	[sflag:s25] =	ssyncadd.s32 $0xFFFFFFB0  }
0x93: {  	_ =	swait.ge [sflag:s25], $0x50  }
0x94: {  	[sflag:s25] =	ssyncset.done $0x0  }
0x95: {  	[sflag:s25] =	ssyncadd.s32 $0xFFFFFFB0  }
0x96: {  	_ =	swait.ge [sflag:s6], $0x2800  }
0x97: {  	[sflag:s6] =	ssyncset.done $0x0  }
0x98: {  	[sflag:s6] =	ssyncadd.s32 $0xFFFFD800  }
0x99: {  	[tilespmem:s28], [sflag:$0x4] =	stream.indirect.gather [hbm4b:s1+s26], $0x80, s22, s26, $0xb8;
	[tilespmem:$0x18DE0] =	vst v63  }
0x9a: {  	s17 =	sadd.s32 $0x46, s13;
	s16 =	rddreg [dreg:$0x7]  }
0x9b: {  	[tilespmem:s23], [sflag:$0x2] =	stream.linear.gather [hbm4b:s17+s4], $0x50, $0x38;
	[tilespmem:$0x18DE0] =	vst v63  }
0x9c: {  	s14 =	sadd.s32 $0x0, s16  }
0x9d: {  	[tilespmem:s24], [sflag:$0x2] =	stream.linear.gather [hbm4b:s14+s4], $0x50, $0x38;
	[tilespmem:$0x18DE0] =	vst v63  }
0x9e: {  	_ =	swait.ge [sflag:s9], $0x2800  }
0x9f: {  	[sflag:s9] =	ssyncset.done $0x0  }
0xa0: {  	[sflag:s9] =	ssyncadd.s32 $0xFFFFD800  }
0xa1: {  	[spmem:s3] =	stream.indirect.scatter.add.f32 [tilespmem:s30], [sflag:$0x7], $0x80, s31, s26, $0xb8;
	[tilespmem:$0x18DE0] =	vst v63  }
0xa2: {  	_ =	swait.ge [sflag:s29], $0x50  }
0xa3: {  	[sflag:s29] =	ssyncset.done $0x0  }
0xa4: {  	[sflag:s29] =	ssyncadd.s32 $0xFFFFFFB0  }
0xa5: {  	_ =	swait.ge [sflag:s29], $0x50  }
0xa6: {  	[sflag:s29] =	ssyncset.done $0x0  }
0xa7: {  	[sflag:s29] =	ssyncadd.s32 $0xFFFFFFB0  }
0xa8: {  	_ =	swait.ge [sflag:s10], $0x2800  }
0xa9: {  	[sflag:s10] =	ssyncset.done $0x0  }
0xaa: {  	[sflag:s10] =	ssyncadd.s32 $0xFFFFD800  }
0xab: {  	[tilespmem:s30], [sflag:$0x5] =	stream.indirect.gather [hbm4b:s1+s26], $0x80, s24, s26, $0xb8;
	[tilespmem:$0x18DE0] =	vst v63  }
0xac: {  	s17 =	sadd.s32 $0x50, s13;
	s16 =	rddreg [dreg:$0x6]  }
0xad: {  	[tilespmem:s31], [sflag:$0x3] =	stream.linear.gather [hbm4b:s17+s4], $0x50, $0x38;
	[tilespmem:$0x18DE0] =	vst v63  }
0xae: {  	s14 =	sadd.s32 $0x0, s16  }
0xaf: {  	[tilespmem:s0], [sflag:$0x3] =	stream.linear.gather [hbm4b:s14+s4], $0x50, $0x38;
	[tilespmem:$0x18DE0] =	vst v63  }
0xb0: {  	_ =	swait.ge [sflag:s2], $0x2800  }
0xb1: {  	[sflag:s2] =	ssyncset.done $0x0  }
0xb2: {  	[sflag:s2] =	ssyncadd.s32 $0xFFFFD800  }
0xb3: {  	[spmem:s3] =	stream.indirect.scatter.add.f32 [tilespmem:s28], [sflag:$0x6], $0x80, s21, s26, $0xb8;
	[tilespmem:$0x18DE0] =	vst v63  }
0xb4: {  	_ =	swait.ge [sflag:s5], $0x50  }
0xb5: {  	[sflag:s5] =	ssyncset.done $0x0  }
0xb6: {  	[sflag:s5] =	ssyncadd.s32 $0xFFFFFFB0  }
0xb7: {  	_ =	swait.ge [sflag:s5], $0x50  }
0xb8: {  	[sflag:s5] =	ssyncset.done $0x0  }
0xb9: {  	[sflag:s5] =	ssyncadd.s32 $0xFFFFFFB0  }
0xba: {  	_ =	swait.ge [sflag:s6], $0x2800  }
0xbb: {  	[sflag:s6] =	ssyncset.done $0x0  }
0xbc: {  	[sflag:s6] =	ssyncadd.s32 $0xFFFFD800  }
0xbd: {  	[tilespmem:s28], [sflag:$0x4] =	stream.indirect.gather [hbm4b:s1+s26], $0x80, s0, s26, $0xb8;
	[tilespmem:$0x18DE0] =	vst v63  }
0xbe: {  	s13 =	sadd.s32 $0x5A, s13;
	s16 =	rddreg [dreg:$0x5]  }
0xbf: {  	[tilespmem:s21], [sflag:$0x1] =	stream.linear.gather [hbm4b:s13+s4], $0x50, $0x38;
	[tilespmem:$0x18DE0] =	vst v63  }
0xc0: {  	s17 =	sadd.s32 $0x0, s16  }
0xc1: {  	[tilespmem:s22], [sflag:$0x1] =	stream.linear.gather [hbm4b:s17+s4], $0x50, $0x38;
	[tilespmem:$0x18DE0] =	vst v63  }
0xc2: {  	_ =	swait.ge [sflag:s9], $0x2800  }
0xc3: {  	s13 =	simm.s32 $0x3C;
	[sflag:s9] =	ssyncset.done $0x0  }
.LBB2_2:
0xc4: {  	[sflag:s9] =	ssyncadd.s32 $0xFFFFD800  }
0xc5: {  	[spmem:s3] =	stream.indirect.scatter.add.f32 [tilespmem:s30], [sflag:$0x7], $0x80, s23, s26, $0xb8;
	[tilespmem:$0x18DE0] =	vst v63  }
0xc6: {  	_ =	swait.ge [sflag:s25], $0x50  }
0xc7: {  	[sflag:s25] =	ssyncset.done $0x0  }
0xc8: {  	[sflag:s25] =	ssyncadd.s32 $0xFFFFFFB0  }
0xc9: {  	_ =	swait.ge [sflag:s25], $0x50  }
0xca: {  	[sflag:s25] =	ssyncset.done $0x0  }
0xcb: {  	[sflag:s25] =	ssyncadd.s32 $0xFFFFFFB0  }
0xcc: {  	_ =	swait.ge [sflag:s10], $0x2800  }
0xcd: {  	s14 =	smov.u32 s13;
	[sflag:s10] =	ssyncset.done $0x0;
	s15 =	rddreg [dreg:$0x4]  }
0xce: {  	[sflag:s10] =	ssyncadd.s32 $0xFFFFD800;
	s15 =	sadd.s32 s14, s15  }
0xcf: {  	[tilespmem:s30], [sflag:$0x5] =	stream.indirect.gather [hbm4b:s1+s26], $0x80, s22, s26, $0xb8;
	[tilespmem:$0x18DE0] =	vst v63  }
0xd0: {  	s16 =	rddreg [dreg:$0xa];
	s17 =	sadd.s32 $0x28, s15  }
0xd1: {  	[tilespmem:s23], [sflag:$0x2] =	stream.linear.gather [hbm4b:s17+s4], $0x50, $0x38;
	[tilespmem:$0x18DE0] =	vst v63  }
0xd2: {  	s16 =	sadd.s32 s14, s16  }
0xd3: {  	[tilespmem:s24], [sflag:$0x2] =	stream.linear.gather [hbm4b:s16+s4], $0x50, $0x38;
	[tilespmem:$0x18DE0] =	vst v63  }
0xd4: {  	_ =	swait.ge [sflag:s2], $0x2800  }
0xd5: {  	[sflag:s2] =	ssyncset.done $0x0  }
0xd6: {  	[sflag:s2] =	ssyncadd.s32 $0xFFFFD800  }
0xd7: {  	[spmem:s3] =	stream.indirect.scatter.add.f32 [tilespmem:s28], [sflag:$0x6], $0x80, s31, s26, $0xb8;
	[tilespmem:$0x18DE0] =	vst v63  }
0xd8: {  	_ =	swait.ge [sflag:s29], $0x50  }
0xd9: {  	[sflag:s29] =	ssyncset.done $0x0  }
0xda: {  	[sflag:s29] =	ssyncadd.s32 $0xFFFFFFB0  }
0xdb: {  	_ =	swait.ge [sflag:s29], $0x50  }
0xdc: {  	[sflag:s29] =	ssyncset.done $0x0  }
0xdd: {  	[sflag:s29] =	ssyncadd.s32 $0xFFFFFFB0  }
0xde: {  	_ =	swait.ge [sflag:s6], $0x2800  }
0xdf: {  	[sflag:s6] =	ssyncset.done $0x0  }
0xe0: {  	[sflag:s6] =	ssyncadd.s32 $0xFFFFD800  }
0xe1: {  	[tilespmem:s28], [sflag:$0x4] =	stream.indirect.gather [hbm4b:s1+s26], $0x80, s24, s26, $0xb8;
	[tilespmem:$0x18DE0] =	vst v63  }
0xe2: {  	s17 =	sadd.s32 $0x32, s15;
	s16 =	rddreg [dreg:$0x9]  }
0xe3: {  	[tilespmem:s31], [sflag:$0x3] =	stream.linear.gather [hbm4b:s17+s4], $0x50, $0x38;
	[tilespmem:$0x18DE0] =	vst v63  }
0xe4: {  	s16 =	sadd.s32 s14, s16  }
0xe5: {  	[tilespmem:s0], [sflag:$0x3] =	stream.linear.gather [hbm4b:s16+s4], $0x50, $0x38;
	[tilespmem:$0x18DE0] =	vst v63  }
0xe6: {  	_ =	swait.ge [sflag:s9], $0x2800  }
0xe7: {  	[sflag:s9] =	ssyncset.done $0x0  }
0xe8: {  	[sflag:s9] =	ssyncadd.s32 $0xFFFFD800  }
0xe9: {  	[spmem:s3] =	stream.indirect.scatter.add.f32 [tilespmem:s30], [sflag:$0x7], $0x80, s21, s26, $0xb8;
	[tilespmem:$0x18DE0] =	vst v63  }
0xea: {  	_ =	swait.ge [sflag:s5], $0x50  }
0xeb: {  	[sflag:s5] =	ssyncset.done $0x0  }
0xec: {  	[sflag:s5] =	ssyncadd.s32 $0xFFFFFFB0  }
0xed: {  	_ =	swait.ge [sflag:s5], $0x50  }
0xee: {  	[sflag:s5] =	ssyncset.done $0x0  }
0xef: {  	[sflag:s5] =	ssyncadd.s32 $0xFFFFFFB0  }
0xf0: {  	_ =	swait.ge [sflag:s10], $0x2800  }
0xf1: {  	[sflag:s10] =	ssyncset.done $0x0  }
0xf2: {  	[sflag:s10] =	ssyncadd.s32 $0xFFFFD800  }
0xf3: {  	[tilespmem:s30], [sflag:$0x5] =	stream.indirect.gather [hbm4b:s1+s26], $0x80, s0, s26, $0xb8;
	[tilespmem:$0x18DE0] =	vst v63  }
0xf4: {  	s17 =	sadd.s32 $0x3C, s15;
	s16 =	rddreg [dreg:$0x8]  }
0xf5: {  	[tilespmem:s21], [sflag:$0x1] =	stream.linear.gather [hbm4b:s17+s4], $0x50, $0x38;
	[tilespmem:$0x18DE0] =	vst v63  }
0xf6: {  	s16 =	sadd.s32 s14, s16  }
0xf7: {  	[tilespmem:s22], [sflag:$0x1] =	stream.linear.gather [hbm4b:s16+s4], $0x50, $0x38;
	[tilespmem:$0x18DE0] =	vst v63  }
0xf8: {  	_ =	swait.ge [sflag:s2], $0x2800  }
0xf9: {  	[sflag:s2] =	ssyncset.done $0x0  }
0xfa: {  	[sflag:s2] =	ssyncadd.s32 $0xFFFFD800  }
0xfb: {  	[spmem:s3] =	stream.indirect.scatter.add.f32 [tilespmem:s28], [sflag:$0x6], $0x80, s23, s26, $0xb8;
	[tilespmem:$0x18DE0] =	vst v63  }
0xfc: {  	_ =	swait.ge [sflag:s25], $0x50  }
0xfd: {  	[sflag:s25] =	ssyncset.done $0x0  }
0xfe: {  	[sflag:s25] =	ssyncadd.s32 $0xFFFFFFB0  }
0xff: {  	_ =	swait.ge [sflag:s25], $0x50  }
0x100: {  	[sflag:s25] =	ssyncset.done $0x0  }
0x101: {  	[sflag:s25] =	ssyncadd.s32 $0xFFFFFFB0  }
0x102: {  	_ =	swait.ge [sflag:s6], $0x2800  }
0x103: {  	[sflag:s6] =	ssyncset.done $0x0  }
0x104: {  	[sflag:s6] =	ssyncadd.s32 $0xFFFFD800  }
0x105: {  	[tilespmem:s28], [sflag:$0x4] =	stream.indirect.gather [hbm4b:s1+s26], $0x80, s22, s26, $0xb8;
	[tilespmem:$0x18DE0] =	vst v63  }
0x106: {  	s17 =	sadd.s32 $0x46, s15;
	s16 =	rddreg [dreg:$0x7]  }
0x107: {  	[tilespmem:s23], [sflag:$0x2] =	stream.linear.gather [hbm4b:s17+s4], $0x50, $0x38;
	[tilespmem:$0x18DE0] =	vst v63  }
0x108: {  	s16 =	sadd.s32 s14, s16  }
0x109: {  	[tilespmem:s24], [sflag:$0x2] =	stream.linear.gather [hbm4b:s16+s4], $0x50, $0x38;
	[tilespmem:$0x18DE0] =	vst v63  }
0x10a: {  	_ =	swait.ge [sflag:s9], $0x2800  }
0x10b: {  	[sflag:s9] =	ssyncset.done $0x0  }
0x10c: {  	[sflag:s9] =	ssyncadd.s32 $0xFFFFD800  }
0x10d: {  	[spmem:s3] =	stream.indirect.scatter.add.f32 [tilespmem:s30], [sflag:$0x7], $0x80, s31, s26, $0xb8;
	[tilespmem:$0x18DE0] =	vst v63  }
0x10e: {  	_ =	swait.ge [sflag:s29], $0x50  }
0x10f: {  	[sflag:s29] =	ssyncset.done $0x0  }
0x110: {  	[sflag:s29] =	ssyncadd.s32 $0xFFFFFFB0  }
0x111: {  	_ =	swait.ge [sflag:s29], $0x50  }
0x112: {  	[sflag:s29] =	ssyncset.done $0x0  }
0x113: {  	[sflag:s29] =	ssyncadd.s32 $0xFFFFFFB0  }
0x114: {  	_ =	swait.ge [sflag:s10], $0x2800  }
0x115: {  	[sflag:s10] =	ssyncset.done $0x0  }
0x116: {  	[sflag:s10] =	ssyncadd.s32 $0xFFFFD800  }
0x117: {  	[tilespmem:s30], [sflag:$0x5] =	stream.indirect.gather [hbm4b:s1+s26], $0x80, s24, s26, $0xb8;
	[tilespmem:$0x18DE0] =	vst v63  }
0x118: {  	s17 =	sadd.s32 $0x50, s15;
	s16 =	rddreg [dreg:$0x6]  }
0x119: {  	[tilespmem:s31], [sflag:$0x3] =	stream.linear.gather [hbm4b:s17+s4], $0x50, $0x38;
	[tilespmem:$0x18DE0] =	vst v63  }
0x11a: {  	s16 =	sadd.s32 s14, s16  }
0x11b: {  	[tilespmem:s0], [sflag:$0x3] =	stream.linear.gather [hbm4b:s16+s4], $0x50, $0x38;
	[tilespmem:$0x18DE0] =	vst v63  }
0x11c: {  	_ =	swait.ge [sflag:s2], $0x2800  }
0x11d: {  	[sflag:s2] =	ssyncset.done $0x0  }
0x11e: {  	[sflag:s2] =	ssyncadd.s32 $0xFFFFD800  }
0x11f: {  	[spmem:s3] =	stream.indirect.scatter.add.f32 [tilespmem:s28], [sflag:$0x6], $0x80, s21, s26, $0xb8;
	[tilespmem:$0x18DE0] =	vst v63  }
0x120: {  	_ =	swait.ge [sflag:s5], $0x50  }
0x121: {  	[sflag:s5] =	ssyncset.done $0x0  }
0x122: {  	[sflag:s5] =	ssyncadd.s32 $0xFFFFFFB0  }
0x123: {  	_ =	swait.ge [sflag:s5], $0x50  }
0x124: {  	[sflag:s5] =	ssyncset.done $0x0  }
0x125: {  	[sflag:s5] =	ssyncadd.s32 $0xFFFFFFB0  }
0x126: {  	_ =	swait.ge [sflag:s6], $0x2800  }
0x127: {  	[sflag:s6] =	ssyncset.done $0x0  }
0x128: {  	[sflag:s6] =	ssyncadd.s32 $0xFFFFD800  }
0x129: {  	[tilespmem:s28], [sflag:$0x4] =	stream.indirect.gather [hbm4b:s1+s26], $0x80, s0, s26, $0xb8;
	[tilespmem:$0x18DE0] =	vst v63  }
0x12a: {  	p0 =	sne.s32 s13, $0x474;
	s15 =	sadd.s32 $0x5A, s15  }
0x12b: {  	[tilespmem:s21], [sflag:$0x1] =	stream.linear.gather [hbm4b:s15+s4], $0x50, $0x38;
	[tilespmem:$0x18DE0] =	vst v63  }
.Ltmp0:
0x12c: {  	s17 =	rddreg [dreg:$0x5];
	(pc) =	sbr.rel @p0 .LBB2_2-.Ltmp0, $4  }
0x12d: {  	s14 =	sadd.s32 s14, s17  }
0x12e: {  	[tilespmem:s22], [sflag:$0x1] =	stream.linear.gather [hbm4b:s14+s4], $0x50, $0x38;
	[tilespmem:$0x18DE0] =	vst v63  }
0x12f: {  	_ =	swait.ge [sflag:s9], $0x2800  }
0x130: {  	s13 =	sadd.s32 $0x3C, s13;
	[sflag:s9] =	ssyncset.done $0x0  }
0x131: {  	[sflag:s9] =	ssyncadd.s32 $0xFFFFD800  }
0x132: {  	[spmem:s3] =	stream.indirect.scatter.add.f32 [tilespmem:s30], [sflag:$0x7], $0x80, s23, s26, $0xb8;
	[tilespmem:$0x18DE0] =	vst v63  }
0x133: {  	_ =	swait.ge [sflag:s25], $0x50  }
0x134: {  	[sflag:s25] =	ssyncset.done $0x0  }
0x135: {  	[sflag:s25] =	ssyncadd.s32 $0xFFFFFFB0  }
0x136: {  	_ =	swait.ge [sflag:s25], $0x50  }
0x137: {  	[sflag:s25] =	ssyncset.done $0x0  }
0x138: {  	[sflag:s25] =	ssyncadd.s32 $0xFFFFFFB0  }
0x139: {  	_ =	swait.ge [sflag:s10], $0x2800  }
0x13a: {  	[sflag:s10] =	ssyncset.done $0x0  }
0x13b: {  	[sflag:s10] =	ssyncadd.s32 $0xFFFFD800  }
0x13c: {  	[tilespmem:s30], [sflag:$0x5] =	stream.indirect.gather [hbm4b:s1+s26], $0x80, s22, s26, $0xb8;
	[tilespmem:$0x18DE0] =	vst v63  }
0x13d: {  	s13 =	rddreg [dreg:$0x14]  }
0x13e: {  	[tilespmem:s23], [sflag:$0x2] =	stream.linear.gather [hbm4b:s13+s4], $0x50, $0x38;
	[tilespmem:$0x18DE0] =	vst v63  }
0x13f: {  	s17 =	rddreg [dreg:$0x15]  }
0x140: {  	[tilespmem:s24], [sflag:$0x2] =	stream.linear.gather [hbm4b:s17+s4], $0x50, $0x38;
	[tilespmem:$0x18DE0] =	vst v63  }
0x141: {  	_ =	swait.ge [sflag:s2], $0x2800  }
0x142: {  	[sflag:s2] =	ssyncset.done $0x0  }
0x143: {  	[sflag:s2] =	ssyncadd.s32 $0xFFFFD800  }
0x144: {  	[spmem:s3] =	stream.indirect.scatter.add.f32 [tilespmem:s28], [sflag:$0x6], $0x80, s31, s26, $0xb8;
	[tilespmem:$0x18DE0] =	vst v63  }
0x145: {  	_ =	swait.ge [sflag:s29], $0x50  }
0x146: {  	[sflag:s29] =	ssyncset.done $0x0  }
0x147: {  	[sflag:s29] =	ssyncadd.s32 $0xFFFFFFB0  }
0x148: {  	_ =	swait.ge [sflag:s29], $0x50  }
0x149: {  	[sflag:s29] =	ssyncset.done $0x0  }
0x14a: {  	[sflag:s29] =	ssyncadd.s32 $0xFFFFFFB0  }
0x14b: {  	_ =	swait.ge [sflag:s6], $0x2800  }
0x14c: {  	[sflag:s6] =	ssyncset.done $0x0  }
0x14d: {  	[sflag:s6] =	ssyncadd.s32 $0xFFFFD800  }
0x14e: {  	[tilespmem:s28], [sflag:$0x4] =	stream.indirect.gather [hbm4b:s1+s26], $0x80, s24, s26, $0xb8;
	[tilespmem:$0x18DE0] =	vst v63  }
0x14f: {  	_ =	swait.ge [sflag:s9], $0x2800  }
0x150: {  	[sflag:s9] =	ssyncset.done $0x0  }
0x151: {  	[sflag:s9] =	ssyncadd.s32 $0xFFFFD800  }
0x152: {  	[spmem:s3] =	stream.indirect.scatter.add.f32 [tilespmem:s30], [sflag:$0x7], $0x80, s21, s26, $0xb8;
	[tilespmem:$0x18DE0] =	vst v63  }
0x153: {  	_ =	swait.ge [sflag:s2], $0x2800  }
0x154: {  	[sflag:s2] =	ssyncset.done $0x0  }
0x155: {  	[sflag:s2] =	ssyncadd.s32 $0xFFFFD800  }
0x156: {  	[spmem:s3] =	stream.indirect.scatter.add.f32 [tilespmem:s28], [sflag:$0x6], $0x80, s23, s26, $0xb8;
	[tilespmem:$0x18DE0] =	vst v63  }
0x157: {  	_ =	swait.ge [sflag:s6], $0x2800  }
0x158: {  	[sflag:s6] =	ssyncset.done $0x0  }
0x159: {  	[sflag:s6] =	ssyncadd.s32 $0xFFFFD800  }
0x15a: {  	_ =	swait.ge [sflag:s10], $0x2800  }
0x15b: {  	s11 =	sadd.s32 $0x1, s11;
	[sflag:s10] =	ssyncset.done $0x0  }
0x15c: {  	p0 =	sne.s32 s11, s19;
	[sflag:s10] =	ssyncadd.s32 $0xFFFFD800  }
.Ltmp1:
0x15d: {  	[bflag:$0x0] =	sbarrier.arrive $0xFFFF;
	(pc) =	sbr.rel @p0 .LBB2_1-.Ltmp1, $4  }
0x15e: {  	[hbm:s18], [sflag:s7] =	dma.local [spmem:s12], $0x2780  }
0x15f: {  	_ =	swait.ge [sflag:s20], $0x2780  }
0x160: {  	[sflag:s20] =	ssyncset.done $0x0  }
0x161: {  	[sflag:s20] =	ssyncadd.s32 $0xFFFFD880  }
0x162: {  	_ =	sfence.sel $0x180000  }
0x163: {  	[bflag:$0x0] =	sbarrier.arrive $0xFFFF  }
0x164: {  	_ =	strace $0x9000004A  }
0x165: {  	s0 =	stileid.u32;
	[bflag:$0x2] =	sbarrier.arrive $0xFFFF  }
0x166: {  	p0 =	sne.s32 s0, $0x0;
	s0 =	rddreg [dreg:$0x3]  }
0x167: {  	s0 =	sadd.s32 @!p0 $0x100000, s0  }
0x168: {  	[sflag:s0] =	ssyncadd.tile.s32 @!p0 $0x1;
	_ =	shalt  }
.Lfunc_end2:
_tile_overlayer_lowered:
.L_overlay_start_2:
0x169: {  	(tag) =	ssettag $0x2  }
0x16a: {  	s0 =	rddreg [dreg:$0x0];
	s2 =	stileid.u32  }
0x16b: {  	s1 =	rddreg [dreg:$0x1];
	p0 =	sne.s32 s2, $0x0  }
0x16c: {  	s3 =	rddreg [dreg:$0x2];
	[bflag:$0x3] =	sbarrier.arrive $0xFFFF;
	s2 =	simm.s32 @!p0 $0x1C08  }
0x16d: {  	[timem:s3], [sflag:s2] =	dma.local @!p0 [hbm:s0], s1  }
0x16e: {  	s0 =	simm.s32 @!p0 $0x8  }
0x16f: {  	_ =	swait.ge @!p0 [sflag:s0], s1  }
0x170: {  	s1 =	ssub.s32 @!p0 $0x0, s1;
	[sflag:s0] =	ssyncset.done @!p0 $0x0  }
0x171: {  	[sflag:s0] =	ssyncadd.s32 @!p0 s1  }
0x172: {  	[bflag:$0x3] =	sbarrier.arrive $0xFFFF  }
0x173: {  	_ =	shalt  }

// kernel: kernel.8.cloned.1.call-start
scs
__scs_entry_jumppad:
0x0: {  	(pc) =	sbr.rel $0x88, $3  }
0x1: {  	(tag) =	ssettag $0x0;
	lr =	simm.s32 $0x1  }
0x2: {  	[smem:$0x3F95] =	sst lr;
	_ =	strace $0xD0000000  }
0x3: {  	_ = 	snop  }
0x4: {  	_ = 	snop  }
0x5: {  	_ = 	snop  }
0x6: {  	_ = 	snop  }
0x7: {  	_ = 	snop  }
__scs_overlays_trampoline_lowered:
0x8: {  	[smem:$0x3FA4] =	sst s0  }
0x9: {  	[smem:$0x3FA5] =	sst s1  }
0xa: {  	[smem:$0x3FA6] =	sst s2  }
0xb: {  	[smem:$0x3FA7] =	sst s3  }
0xc: {  	[smem:$0x3FA8] =	sst s4  }
0xd: {  	[smem:$0x3FA9] =	sst s5  }
0xe: {  	[smem:$0x3FAA] =	sst s6  }
0xf: {  	[smem:$0x3FAB] =	sst s7  }
0x10: {  	[smem:$0x3FAC] =	sst s8  }
0x11: {  	[smem:$0x3FAD] =	sst s9;
	s0 =	simm.s32 @!p0 $0x0  }
0x12: {  	s1 =	sld [smem:$0x3F93];
	s0 =	simm.s32 @p0 $0x1  }
0x13: {  	[smem:$0x3FAE] =	sst s0;
	s0 =	simm.s32 @!p1 $0x0  }
0x14: {  	s2 =	sld [smem:$0x3F92];
	s0 =	simm.s32 @p1 $0x1  }
0x15: {  	[smem:$0x3FAF] =	sst s0;
	s0 =	simm.s32 @!p2 $0x0  }
0x16: {  	s3 =	sld [smem:$0x3FDB];
	s0 =	simm.s32 @p2 $0x1  }
0x17: {  	s4 =	simm.s32 $0x1BF5;
	[smem:$0x3FB1] =	sst s0  }
0x18: {  	s0 =	sld [smem:$0x3F94];
	_ =	swait.ge [sflag:s4], $0x0  }
0x19: {  	s7 =	sld [smem:$0x3F95]  }
0x1a: {  	s8 =	sadd.s32 $0xFFFFE003, lr  }
0x1b: {  	s9 =	sadd.s32 $0xFFFFFEF7, lr;
	s5 =	simm.s32 $0xFFFFFFFF;
	p2 =	slt.u32 s8, $0xFFFFF086  }
0x1c: {  	p1 =	slt.u32 s9, $0xF7A;
	s5 =	simm.s32 @!p2 $0x0  }
0x1d: {  	s5 =	simm.s32 @p1 $0x1;
	p0 =	seq.s32 s7, s2  }
0x1e: {  	s7 =	smul.u32 @!p0 $0xF7A, s2;
	p2 =	seq.s32 @!p0 s5, $0x0  }
0x1f: {  	s9 =	smul.u32 $0xF7A, s1;
	s8 =	simm.s32 @!p0 $0x1BF5;
	p2 =	por !p2, p0  }
0x20: {  	[sflag:s8] =	ssyncset.s32 @!p0 $0xFFFFF086;
	s6 =	sadd.s32 @!p0 s3, s7;
	s7 =	simm.s32 @!p0 $0x108  }
0x21: {  	s3 =	sadd.s32 s3, s9;
	s6 =	sadd.s32 @!p0 $0x88, s6;
	s7 =	simm.s32 @p2 $0x1082  }
0x22: {  	[simem:s7], [sflag:s8] =	dma.local @!p0 [hbm:s6], $0xF7A  }
0x23: {  	s9 =	sor.u32 $0xD0000000, s2;
	s6 =	simm.s32 $0x108;
	_ =	swait.ge @!p0 [sflag:s8], $0x0  }
0x24: {  	s3 =	sadd.s32 $0x88, s3;
	s6 =	simm.s32 @!p1 $0x1082;
	[sflag:s4] =	ssyncset.s32 $0xFFFFF086  }
0x25: {  	[simem:s6], [sflag:s4] =	dma.local [hbm:s3], $0xF7A  }
0x26: {  	[smem:$0x3F95] =	sst s1;
	(tag) =	ssettag s2;
	_ =	strace s9  }
0x27: {  	s1 =	sld [smem:$0x3FA5]  }
0x28: {  	s2 =	sld [smem:$0x3FA6]  }
0x29: {  	s4 =	sld [smem:$0x3FA8]  }
0x2a: {  	p0 =	seq.s32 s5, $0x0;
	s5 =	sld [smem:$0x3FA9]  }
0x2b: {  	s6 =	sld [smem:$0x3FAA]  }
0x2c: {  	s7 =	sld [smem:$0x3FAB]  }
0x2d: {  	s3 =	simm.s32 $0x108;
	s8 =	sld [smem:$0x3FAC]  }
0x2e: {  	s3 =	simm.s32 @!p0 $0x1082;
	s9 =	sld [smem:$0x3FAD]  }
0x2f: {  	lr =	sadd.s32 s0, s3;
	s0 =	sld [smem:$0x3FA4]  }
0x30: {  	s3 =	sld [smem:$0x3FA7]  }
0x31: {  	[smem:$0x3FB0] =	sst s10  }
0x32: {  	s10 =	sld [smem:$0x3FAE];
	_ =	sdelay $0x3  }
0x33: {  	p0 =	seq.s32 s10, $0x1;
	s10 =	sld [smem:$0x3FB0];
	_ =	sdelay $0x3  }
0x34: {  	[smem:$0x3FB0] =	sst s10  }
0x35: {  	s10 =	sld [smem:$0x3FAF];
	_ =	sdelay $0x3  }
0x36: {  	p1 =	seq.s32 s10, $0x1;
	s10 =	sld [smem:$0x3FB0];
	_ =	sdelay $0x3  }
0x37: {  	[smem:$0x3FB0] =	sst s10  }
0x38: {  	s10 =	sld [smem:$0x3FB1]  }
0x39: {  	_ = 	snop;
	(pc) =	sbr.ind lr, $3  }
0x3a: {  	_ = 	snop  }
0x3b: {  	_ = 	snop  }
0x3c: {  	p2 =	seq.s32 s10, $0x1;
	s10 =	sld [smem:$0x3FB0]  }
0x3d: {  	_ =	shalt  }
0x3e: {  	_ =	shalt  }
0x3f: {  	_ =	shalt  }
0x40: {  	_ =	shalt  }
0x41: {  	_ =	shalt  }
0x42: {  	_ =	shalt  }
0x43: {  	_ =	shalt  }
0x44: {  	_ =	shalt  }
0x45: {  	_ =	shalt  }
0x46: {  	_ =	shalt  }
0x47: {  	_ =	shalt  }
0x48: {  	_ =	shalt  }
0x49: {  	_ =	shalt  }
0x4a: {  	_ =	shalt  }
0x4b: {  	_ =	shalt  }
0x4c: {  	_ =	shalt  }
0x4d: {  	_ =	shalt  }
0x4e: {  	_ =	shalt  }
0x4f: {  	_ =	shalt  }
0x50: {  	_ =	shalt  }
0x51: {  	_ =	shalt  }
0x52: {  	_ =	shalt  }
0x53: {  	_ =	shalt  }
0x54: {  	_ =	shalt  }
0x55: {  	_ =	shalt  }
0x56: {  	_ =	shalt  }
0x57: {  	_ =	shalt  }
0x58: {  	_ =	shalt  }
0x59: {  	_ =	shalt  }
0x5a: {  	_ =	shalt  }
0x5b: {  	_ =	shalt  }
0x5c: {  	_ =	shalt  }
0x5d: {  	_ =	shalt  }
0x5e: {  	_ =	shalt  }
0x5f: {  	_ =	shalt  }
0x60: {  	_ =	shalt  }
0x61: {  	_ =	shalt  }
0x62: {  	_ =	shalt  }
0x63: {  	_ =	shalt  }
0x64: {  	_ =	shalt  }
0x65: {  	_ =	shalt  }
0x66: {  	_ =	shalt  }
0x67: {  	_ =	shalt  }
0x68: {  	_ =	shalt  }
0x69: {  	_ =	shalt  }
0x6a: {  	_ =	shalt  }
0x6b: {  	_ =	shalt  }
0x6c: {  	_ =	shalt  }
0x6d: {  	_ =	shalt  }
0x6e: {  	_ =	shalt  }
0x6f: {  	_ =	shalt  }
0x70: {  	_ =	shalt  }
0x71: {  	_ =	shalt  }
0x72: {  	_ =	shalt  }
0x73: {  	_ =	shalt  }
0x74: {  	_ =	shalt  }
0x75: {  	_ =	shalt  }
0x76: {  	_ =	shalt  }
0x77: {  	_ =	shalt  }
0x78: {  	_ =	shalt  }
0x79: {  	_ =	shalt  }
0x7a: {  	_ =	shalt  }
0x7b: {  	_ =	shalt  }
0x7c: {  	_ =	shalt  }
0x7d: {  	_ =	shalt  }
0x7e: {  	_ =	shalt  }
0x7f: {  	_ =	shalt  }
0x80: {  	_ =	shalt  }
0x81: {  	_ =	shalt  }
0x82: {  	_ =	shalt  }
0x83: {  	_ =	shalt  }
0x84: {  	_ =	shalt  }
0x85: {  	_ =	shalt  }
0x86: {  	_ =	shalt  }
0x87: {  	_ =	shalt  }
.Lfunc_end0:
.L_simem_size_0:
called_computation.1_lowered:
.L_overlay_start_0:
0x88: {  	s2 =	sld [smem:$0x3FD9]  }
0x89: {  	s3 =	sld [smem:$0x3FFE];
	_ =	sdelay $0x1  }
0x8a: {  	s1 =	srdreg.scid  }
0x8b: {  	s0 =	sand.u32 $0x1, s1  }
0x8c: {  	s16 =	sshll.u32 s0, $0xA;
	s2 =	sadd.s32 s3, s2  }
0x8d: {  	s2 =	sadd.s32 s2, s16  }
0x8e: {  	[smem:$0x3FBC] =	sst s2  }
0x8f: {  	_ = 	snop  }
0x90: {  	(tm) =	ssettm $0x1  }
0x91: {  	s17 =	sld [smem:$0x3FFB];
	_ =	sdelay $0x3  }
0x92: {  	_ =	strace s17  }
0x93: {  	s2 =	sld [smem:$0x3FFC];
	_ =	sdelay $0x3  }
0x94: {  	_ =	strace s2  }
0x95: {  	s2 =	sld [smem:$0x3FFD];
	_ =	sdelay $0x3  }
0x96: {  	_ =	strace s2  }
0x97: {  	_ =	strace $0x8FFFFFFF  }
0x98: {  	s18 =	sld [smem:$0x3FDB];
	_ =	sdelay $0x1  }
0x99: {  	s19 =	simm.s32 $_scs_section_size  }
0x9a: {  	s4 =	simm.s32 $_size__tile_overlayer_lowered;
	s5 =	simm.s32 $_tile_overlayer_lowered  }
0x9b: {  	s22 =	simm.s32 $0x1BFF;
	s21 =	sshll.u32 s5, $0x1;
	s2 =	sadd.s32 s19, s18  }
0x9c: {  	s6 =	simm.s32 $0x0;
	s20 =	sshll.u32 s4, $0x1;
	s4 =	sadd.s32 s21, s2  }
0x9d: {  	[timem:s6], [sflag:s22] =	dma.local [hbm:s4], s20  }
0x9e: {  	_ =	swait.ge [sflag:s22], s20  }
0x9f: {  	s3 =	ssub.s32 $0x0, s20;
	[sflag:s22] =	ssyncset.done $0x0  }
0xa0: {  	[sflag:s22] =	ssyncadd.s32 s3;
	_ =	sdelay $0x1  }
0xa1: {  	s23 =	simm.s32 $0x1B8B  }
0xa2: {  	_ =	swait.ge [sflag:s23], $0x1  }
0xa3: {  	[sflag:s23] =	ssyncset.done $0x0  }
0xa4: {  	s25 =	simm.s32 $0x1B8E;
	s24 =	sld [smem:$0x3FFE];
	[sflag:s23] =	ssyncadd.s32 $0xFFFFFFFF  }
0xa5: {  	s26 =	simm.s32 $execute0_lowered;
	[smem:$0x3FD2] =	sst s25  }
0xa6: {  	s4 =	sshll.u32 s26, $0x1;
	_ =	strace $0x80000046;
	[dreg:$0x1] =	wrdreg $0xFFFFFFFF  }
0xa7: {  	s28 =	simm.s32 $_size_execute0_lowered;
	s2 =	sadd.s32 s2, s4;
	[dreg:$0x0] =	wrdreg $0x0  }
0xa8: {  	s4 =	sshll.u32 s28, $0x1;
	[dreg:$0x2] =	wrdreg s2  }
0xa9: {  	[dreg:$0x3] =	wrdreg s4  }
0xaa: {  	[dreg:$0x4] =	wrdreg $0xC0  }
0xab: {  	_ =	task [dreg:s6], $0x5FFFF  }
0xac: {  	[dreg:$0x1] =	wrdreg $0xFFFFFFFF  }
0xad: {  	[dreg:$0x0] =	wrdreg $0x60  }
0xae: {  	[dreg:$0x2] =	wrdreg s24  }
0xaf: {  	[dreg:$0x3] =	wrdreg $0x0  }
0xb0: {  	[dreg:$0x4] =	wrdreg $0xA  }
0xb1: {  	_ =	task.clear_ibuf [dreg:s6], $0x5FFFF;
	_ =	strace $0x90000046  }
0xb2: {  	s29 =	simm.s32 $0xA;
	_ =	strace $0x80000048  }
0xb3: {  	_ =	swait.ge [sflag:s29], $0x1  }
0xb4: {  	[sflag:s29] =	ssyncadd.s32 $0xFFFFFFFF  }
0xb5: {  	_ =	strace $0x90000048  }
0xb6: {  	_ =	sfence  }
0xb7: {  	s30 =	sld [smem:$0x0];
	_ =	sdelay $0x2  }
0xb8: {  	s31 =	sshll.u32 s1, $0xD;
	s1 =	sshrl.u32 s1, $0x2  }
0xb9: {  	s3 =	sand.u32 $0x4000, s31;
	s1 =	sadd.s32 s1, s30  }
0xba: {  	s0 =	sor.u32 s3, s0;
	s1 =	sshll.u32 s1, $0x11  }
0xbb: {  	s0 =	sor.u32 s1, s0  }
0xbc: {  	s0 =	sadd.s32 $0x8F2B, s0  }
0xbd: {  	[sflag:s0] =	ssyncadd.remote.s32 $0x1  }
0xbe: {  	_ =	sfence.sel $0xFFFF  }
0xbf: {  	[dreg:$0x0] =	wrdreg $0xFFFFFFFF;
	(pc) =	sbr.abs _section_cstart, $3  }
0xc0: {  	[dreg:$0x1] =	wrdreg $0xFFFFFFFF  }
0xc1: {  	_ =	task.clear_ibuf [dreg:s6], $0x2FFFF;
	_ =	strace $0x9FFFFFFF  }
0xc2: {  	(tm) =	ssettm $0x7FFFFFFF  }
0xc3: {  	_ =	shalt  }
tec
execute0_lowered:
.L_overlay_start_1:
0x0: {  	(tag) =	ssettag $0x1  }
0x1: {  	s0 =	rddreg [dreg:$0x0]  }
0x2: {  	s2 =	rddreg [dreg:$0x1]  }
0x3: {  	s1 =	srdreg.scid;
	s15 =	stileid.u32;
	s3 =	simm.s32 $0x0  }
0x4: {  	s28 =	simm.s32 $0x50;
	s29 =	simm.s32 $0x2820;
	s30 =	simm.s32 $0x3270  }
0x5: {  	s31 =	simm.s32 $0x2;
	s1 =	sand.u32 $0x1, s1;
	s4 =	smul.u32 $0x2780, s15  }
0x6: {  	[smem:$0x7FF] =	sst s3;
	s6 =	sshll.u32 s15, $0x1;
	s20 =	smul.u32 $0x9C40, s15  }
0x7: {  	s8 =	sadd.s32 $0x2200, s0;
	s9 =	sadd.s32 $0x4F7C00, s0;
	s23 =	smul.u32 $0x9C4, s15  }
0x8: {  	s10 =	sadd.s32 $0x15C00, s0;
	s5 =	smul.u32 $0x27800, s1;
	s6 =	sor.u32 s1, s6  }
0x9: {  	_ =	strace $0x80000047;
	s11 =	ssub.s32 $0x2, s1;
	s7 =	smul.u32 $0x7D, s6  }
0xa: {  	[dreg:$0x3] =	wrdreg s10;
	s24 =	smul.u32 $0x4E2, s6;
	s26 =	sshrl.u32 s11, $0x1  }
0xb: {  	s12 =	smul.u32 $0x4E20, s6;
	s5 =	sadd.s32 s4, s5;
	s11 =	ssub.s32 s11, s26  }
0xc: {  	s4 =	sadd.s32 s4, s2;
	s26 =	sadd.s32 s20, s9;
	s5 =	sshrl.u32 s5, $0x3  }
0xd: {  	s25 =	sadd.s32 $0x1, s7;
	s6 =	sadd.s32 s8, s24;
	s24 =	smul.u32 $0x4E20, s1  }
0xe: {  	s7 =	sshll.u32 s15, $0x6;
	s20 =	sshrl.u32 s4, $0x3;
	s13 =	smul.u32 $0xA, s25  }
0xf: {  	s4 =	simm.s32 $0x5;
	s0 =	sadd.s32 s5, s0;
	s14 =	smul.u32 $0xA0, s25  }
0x10: {  	s5 =	sor.u32 $0x1C07, s7;
	s7 =	sadd.s32 s9, s12;
	s18 =	sadd.s32 $0x14, s6  }
0x11: {  	s21 =	sadd.s32 $0x1E, s6;
	s25 =	sadd.s32 s23, s8;
	[dreg:$0x6] =	wrdreg s18  }
0x12: {  	s23 =	simm.s32 $0x2870;
	s19 =	sadd.s32 $0x140, s7;
	[dreg:$0x8] =	wrdreg s21  }
0x13: {  	s22 =	sadd.s32 $0x1E0, s7;
	s15 =	sadd.s32 $0x4D80, s7;
	s18 =	smul.u32 $0x4E2, s1  }
0x14: {  	s21 =	simm.s32 $0x7;
	s16 =	sadd.s32 s8, s13;
	[dreg:$0x7] =	wrdreg s19  }
0x15: {  	s17 =	sadd.s32 s9, s14;
	[dreg:$0x9] =	wrdreg s22;
	s14 =	sadd.s32 $0x4D8, s6  }
0x16: {  	s22 =	simm.s32 $0x2780;
	s8 =	simm.s32 $0x6;
	[dreg:$0x4] =	wrdreg s16  }
0x17: {  	s9 =	simm.s32 $0x0;
	[dreg:$0x5] =	wrdreg s17;
	s16 =	sadd.s32 $0x16200, s0  }
0x18: {  	s17 =	smax.u32 s11, $0x1;
	s1 =	sadd.s32 s18, s25;
	s18 =	sadd.s32 s24, s26  }
0x19: {  	s24 =	simm.s32 $0x27D0;
	s25 =	simm.s32 $0x2D70;
	s26 =	simm.s32 $0x1  }
0x1a: {  	s0 =	simm.s32 $0x4;
	s19 =	sadd.s32 $0x3C, s1;
	s1 =	simm.s32 $0x3  }
.LBB2_1:
0x1b: {  	s10 =	rddreg [dreg:$0x3]  }
0x1c: {  	[spmem:s20], [sflag:s5] =	dma.local [hbm:s10], $0x4F0  }
0x1d: {  	_ =	swait.ge [sflag:s21], $0x4F0  }
0x1e: {  	[sflag:s21] =	ssyncset.done $0x0  }
0x1f: {  	[sflag:s21] =	ssyncadd.s32 $0xFFFFFB10  }
0x20: {  	[bflag:$0x0] =	sbarrier.arrive $0xFFFF  }
0x21: {  	[tilespmem:s22], [sflag:$0x1] =	stream.linear.gather [hbm4b:s6+s3], $0x50, $0x38;
	[tilespmem:$0x3770] =	vst v63  }
0x22: {  	_ = 	snop  }
0x23: {  	[tilespmem:s23], [sflag:$0x1] =	stream.linear.gather [hbm4b:s7+s3], $0x500, $0x38;
	[tilespmem:$0x3770] =	vst v63  }
0x24: {  	s12 =	rddreg [dreg:$0x4]  }
0x25: {  	[tilespmem:s24], [sflag:$0x2] =	stream.linear.gather [hbm4b:s12+s3], $0x50, $0x38;
	[tilespmem:$0x3770] =	vst v63  }
0x26: {  	s13 =	rddreg [dreg:$0x5]  }
0x27: {  	[tilespmem:s25], [sflag:$0x2] =	stream.linear.gather [hbm4b:s13+s3], $0x500, $0x38;
	[tilespmem:$0x3770] =	vst v63  }
0x28: {  	_ =	swait.ge [sflag:s26], $0x50  }
0x29: {  	[sflag:s26] =	ssyncset.done $0x0  }
0x2a: {  	[sflag:s26] =	ssyncadd.s32 $0xFFFFFFB0  }
0x2b: {  	_ =	swait.ge [sflag:s26], $0x500  }
0x2c: {  	[sflag:s26] =	ssyncset.done $0x0  }
0x2d: {  	[sflag:s26] =	ssyncadd.s32 $0xFFFFFB00  }
0x2e: {  	[spmem:s2] =	stream.indirect.scatter.add.f32 [tilespmem:s23], [sflag:$0x4], $0x10, s22, s28, $0xb8;
	[tilespmem:$0x3770] =	vst v63  }
0x2f: {  	s11 =	rddreg [dreg:$0x6]  }
0x30: {  	[tilespmem:s29], [sflag:$0x3] =	stream.linear.gather [hbm4b:s11+s3], $0x50, $0x38;
	[tilespmem:$0x3770] =	vst v63  }
0x31: {  	s12 =	rddreg [dreg:$0x7]  }
0x32: {  	[tilespmem:s30], [sflag:$0x3] =	stream.linear.gather [hbm4b:s12+s3], $0x500, $0x38;
	[tilespmem:$0x3770] =	vst v63  }
0x33: {  	_ =	swait.ge [sflag:s31], $0x50  }
0x34: {  	[sflag:s31] =	ssyncset.done $0x0  }
0x35: {  	[sflag:s31] =	ssyncadd.s32 $0xFFFFFFB0  }
0x36: {  	_ =	swait.ge [sflag:s31], $0x500  }
0x37: {  	[sflag:s31] =	ssyncset.done $0x0  }
0x38: {  	[sflag:s31] =	ssyncadd.s32 $0xFFFFFB00  }
0x39: {  	[spmem:s2] =	stream.indirect.scatter.add.f32 [tilespmem:s25], [sflag:$0x5], $0x10, s24, s28, $0xb8;
	[tilespmem:$0x3770] =	vst v63  }
0x3a: {  	_ =	swait.ge [sflag:s0], $0x500  }
0x3b: {  	[sflag:s0] =	ssyncset.done $0x0  }
0x3c: {  	s13 =	rddreg [dreg:$0x8];
	[sflag:s0] =	ssyncadd.s32 $0xFFFFFB00  }
0x3d: {  	[tilespmem:s22], [sflag:$0x1] =	stream.linear.gather [hbm4b:s13+s3], $0x50, $0x38;
	[tilespmem:$0x3770] =	vst v63  }
0x3e: {  	s11 =	rddreg [dreg:$0x9]  }
0x3f: {  	[tilespmem:s23], [sflag:$0x1] =	stream.linear.gather [hbm4b:s11+s3], $0x500, $0x38;
	[tilespmem:$0x3770] =	vst v63  }
0x40: {  	_ =	swait.ge [sflag:s1], $0x50  }
0x41: {  	[sflag:s1] =	ssyncset.done $0x0  }
0x42: {  	[sflag:s1] =	ssyncadd.s32 $0xFFFFFFB0  }
0x43: {  	_ =	swait.ge [sflag:s1], $0x500  }
0x44: {  	[sflag:s1] =	ssyncset.done $0x0  }
0x45: {  	[sflag:s1] =	ssyncadd.s32 $0xFFFFFB00  }
0x46: {  	_ =	swait.ge [sflag:s4], $0x500  }
0x47: {  	[sflag:s4] =	ssyncset.done $0x0  }
0x48: {  	[sflag:s4] =	ssyncadd.s32 $0xFFFFFB00  }
0x49: {  	[spmem:s2] =	stream.indirect.scatter.add.f32 [tilespmem:s30], [sflag:$0x6], $0x10, s29, s28, $0xb8;
	[tilespmem:$0x3770] =	vst v63  }
0x4a: {  	s12 =	sadd.s32 $0xFFFFFFEC, s19;
	s11 =	sadd.s32 $0x0, s18  }
0x4b: {  	[tilespmem:s24], [sflag:$0x2] =	stream.linear.gather [hbm4b:s12+s3], $0x50, $0x38;
	[tilespmem:$0x3770] =	vst v63  }
0x4c: {  	s13 =	sadd.s32 $0x280, s11  }
0x4d: {  	[tilespmem:s25], [sflag:$0x2] =	stream.linear.gather [hbm4b:s13+s3], $0x500, $0x38;
	[tilespmem:$0x3770] =	vst v63  }
0x4e: {  	_ =	swait.ge [sflag:s26], $0x50  }
0x4f: {  	[sflag:s26] =	ssyncset.done $0x0  }
0x50: {  	[sflag:s26] =	ssyncadd.s32 $0xFFFFFFB0  }
0x51: {  	_ =	swait.ge [sflag:s26], $0x500  }
0x52: {  	[sflag:s26] =	ssyncset.done $0x0  }
0x53: {  	[sflag:s26] =	ssyncadd.s32 $0xFFFFFB00  }
0x54: {  	_ =	swait.ge [sflag:s8], $0x500  }
0x55: {  	[sflag:s8] =	ssyncset.done $0x0  }
0x56: {  	[sflag:s8] =	ssyncadd.s32 $0xFFFFFB00  }
0x57: {  	[spmem:s2] =	stream.indirect.scatter.add.f32 [tilespmem:s23], [sflag:$0x4], $0x10, s22, s28, $0xb8;
	[tilespmem:$0x3770] =	vst v63  }
0x58: {  	s12 =	sadd.s32 $0xFFFFFFF6, s19  }
0x59: {  	[tilespmem:s29], [sflag:$0x3] =	stream.linear.gather [hbm4b:s12+s3], $0x50, $0x38;
	[tilespmem:$0x3770] =	vst v63  }
0x5a: {  	s13 =	sadd.s32 $0x320, s11  }
0x5b: {  	[tilespmem:s30], [sflag:$0x3] =	stream.linear.gather [hbm4b:s13+s3], $0x500, $0x38;
	[tilespmem:$0x3770] =	vst v63  }
0x5c: {  	_ =	swait.ge [sflag:s31], $0x50  }
0x5d: {  	[sflag:s31] =	ssyncset.done $0x0  }
0x5e: {  	[sflag:s31] =	ssyncadd.s32 $0xFFFFFFB0  }
0x5f: {  	_ =	swait.ge [sflag:s31], $0x500  }
0x60: {  	[sflag:s31] =	ssyncset.done $0x0  }
0x61: {  	[sflag:s31] =	ssyncadd.s32 $0xFFFFFB00  }
0x62: {  	_ =	swait.ge [sflag:s0], $0x500  }
0x63: {  	[sflag:s0] =	ssyncset.done $0x0  }
0x64: {  	[sflag:s0] =	ssyncadd.s32 $0xFFFFFB00  }
0x65: {  	[spmem:s2] =	stream.indirect.scatter.add.f32 [tilespmem:s25], [sflag:$0x5], $0x10, s24, s28, $0xb8;
	[tilespmem:$0x3770] =	vst v63  }
0x66: {  	s10 =	simm.s32 $0x1E0;
	s12 =	sadd.s32 $0x3C0, s11;
	s11 =	sadd.s32 $0x1E, s19  }
0x67: {  	[tilespmem:s22], [sflag:$0x1] =	stream.linear.gather [hbm4b:s19+s3], $0x50, $0x38;
	[tilespmem:$0x3770] =	vst v63  }
.LBB2_2:
0x68: {  	[tilespmem:s23], [sflag:$0x1] =	stream.linear.gather [hbm4b:s12+s3], $0x500, $0x38;
	[tilespmem:$0x3770] =	vst v63  }
0x69: {  	s12 =	smov.u32 s10  }
0x6a: {  	p0 =	sne.s32 s10, $0x4920;
	s10 =	sadd.s32 $0x1E0, s10;
	_ =	swait.ge [sflag:s1], $0x50  }
0x6b: {  	[sflag:s1] =	ssyncset.done $0x0  }
0x6c: {  	[sflag:s1] =	ssyncadd.s32 $0xFFFFFFB0  }
0x6d: {  	_ =	swait.ge [sflag:s1], $0x500  }
0x6e: {  	[sflag:s1] =	ssyncset.done $0x0  }
0x6f: {  	[sflag:s1] =	ssyncadd.s32 $0xFFFFFB00  }
0x70: {  	_ =	swait.ge [sflag:s4], $0x500  }
0x71: {  	[sflag:s4] =	ssyncset.done $0x0  }
0x72: {  	[sflag:s4] =	ssyncadd.s32 $0xFFFFFB00  }
0x73: {  	[spmem:s2] =	stream.indirect.scatter.add.f32 [tilespmem:s30], [sflag:$0x6], $0x10, s29, s28, $0xb8;
	[tilespmem:$0x3770] =	vst v63  }
0x74: {  	s13 =	sadd.s32 $0xFFFFFFEC, s11;
	s12 =	sadd.s32 s12, s18  }
0x75: {  	[tilespmem:s24], [sflag:$0x2] =	stream.linear.gather [hbm4b:s13+s3], $0x50, $0x38;
	[tilespmem:$0x3770] =	vst v63  }
0x76: {  	s13 =	sadd.s32 $0x280, s12  }
0x77: {  	[tilespmem:s25], [sflag:$0x2] =	stream.linear.gather [hbm4b:s13+s3], $0x500, $0x38;
	[tilespmem:$0x3770] =	vst v63  }
0x78: {  	_ =	swait.ge [sflag:s26], $0x50  }
0x79: {  	[sflag:s26] =	ssyncset.done $0x0  }
0x7a: {  	[sflag:s26] =	ssyncadd.s32 $0xFFFFFFB0  }
0x7b: {  	_ =	swait.ge [sflag:s26], $0x500  }
0x7c: {  	[sflag:s26] =	ssyncset.done $0x0  }
0x7d: {  	[sflag:s26] =	ssyncadd.s32 $0xFFFFFB00  }
0x7e: {  	_ =	swait.ge [sflag:s8], $0x500  }
0x7f: {  	[sflag:s8] =	ssyncset.done $0x0  }
0x80: {  	[sflag:s8] =	ssyncadd.s32 $0xFFFFFB00  }
0x81: {  	[spmem:s2] =	stream.indirect.scatter.add.f32 [tilespmem:s23], [sflag:$0x4], $0x10, s22, s28, $0xb8;
	[tilespmem:$0x3770] =	vst v63  }
0x82: {  	s13 =	sadd.s32 $0xFFFFFFF6, s11  }
0x83: {  	[tilespmem:s29], [sflag:$0x3] =	stream.linear.gather [hbm4b:s13+s3], $0x50, $0x38;
	[tilespmem:$0x3770] =	vst v63  }
0x84: {  	s13 =	sadd.s32 $0x320, s12  }
0x85: {  	[tilespmem:s30], [sflag:$0x3] =	stream.linear.gather [hbm4b:s13+s3], $0x500, $0x38;
	[tilespmem:$0x3770] =	vst v63  }
0x86: {  	_ =	swait.ge [sflag:s31], $0x50  }
0x87: {  	[sflag:s31] =	ssyncset.done $0x0  }
0x88: {  	[sflag:s31] =	ssyncadd.s32 $0xFFFFFFB0  }
0x89: {  	_ =	swait.ge [sflag:s31], $0x500  }
0x8a: {  	[sflag:s31] =	ssyncset.done $0x0  }
0x8b: {  	[sflag:s31] =	ssyncadd.s32 $0xFFFFFB00  }
0x8c: {  	_ =	swait.ge [sflag:s0], $0x500  }
0x8d: {  	[sflag:s0] =	ssyncset.done $0x0  }
.Ltmp0:
0x8e: {  	[sflag:s0] =	ssyncadd.s32 $0xFFFFFB00;
	(pc) =	sbr.rel @p0 .LBB2_2-.Ltmp0, $4  }
0x8f: {  	[spmem:s2] =	stream.indirect.scatter.add.f32 [tilespmem:s25], [sflag:$0x5], $0x10, s24, s28, $0xb8;
	[tilespmem:$0x3770] =	vst v63  }
0x90: {  	_ = 	snop  }
0x91: {  	[tilespmem:s22], [sflag:$0x1] =	stream.linear.gather [hbm4b:s11+s3], $0x50, $0x38;
	[tilespmem:$0x3770] =	vst v63  }
0x92: {  	s12 =	sadd.s32 $0x3C0, s12;
	s11 =	sadd.s32 $0x1E, s11  }
0x93: {  	[tilespmem:s23], [sflag:$0x1] =	stream.linear.gather [hbm4b:s12+s3], $0x500, $0x38;
	[tilespmem:$0x3770] =	vst v63  }
0x94: {  	_ =	swait.ge [sflag:s1], $0x50  }
0x95: {  	[sflag:s1] =	ssyncset.done $0x0  }
0x96: {  	[sflag:s1] =	ssyncadd.s32 $0xFFFFFFB0  }
0x97: {  	_ =	swait.ge [sflag:s1], $0x500  }
0x98: {  	[sflag:s1] =	ssyncset.done $0x0  }
0x99: {  	[sflag:s1] =	ssyncadd.s32 $0xFFFFFB00  }
0x9a: {  	_ =	swait.ge [sflag:s4], $0x500  }
0x9b: {  	[sflag:s4] =	ssyncset.done $0x0  }
0x9c: {  	[sflag:s4] =	ssyncadd.s32 $0xFFFFFB00  }
0x9d: {  	[spmem:s2] =	stream.indirect.scatter.add.f32 [tilespmem:s30], [sflag:$0x6], $0x10, s29, s28, $0xb8;
	[tilespmem:$0x3770] =	vst v63  }
0x9e: {  	_ = 	snop  }
0x9f: {  	[tilespmem:s24], [sflag:$0x2] =	stream.linear.gather [hbm4b:s14+s3], $0x50, $0x38;
	[tilespmem:$0x3770] =	vst v63  }
0xa0: {  	_ = 	snop  }
0xa1: {  	[tilespmem:s25], [sflag:$0x2] =	stream.linear.gather [hbm4b:s15+s3], $0x500, $0x38;
	[tilespmem:$0x3770] =	vst v63  }
0xa2: {  	_ =	swait.ge [sflag:s26], $0x50  }
0xa3: {  	[sflag:s26] =	ssyncset.done $0x0  }
0xa4: {  	[sflag:s26] =	ssyncadd.s32 $0xFFFFFFB0  }
0xa5: {  	_ =	swait.ge [sflag:s26], $0x500  }
0xa6: {  	[sflag:s26] =	ssyncset.done $0x0  }
0xa7: {  	[sflag:s26] =	ssyncadd.s32 $0xFFFFFB00  }
0xa8: {  	[spmem:s2] =	stream.indirect.scatter.add.f32 [tilespmem:s23], [sflag:$0x4], $0x10, s22, s28, $0xb8;
	[tilespmem:$0x3770] =	vst v63  }
0xa9: {  	_ =	swait.ge [sflag:s31], $0x50  }
0xaa: {  	[sflag:s31] =	ssyncset.done $0x0  }
0xab: {  	[sflag:s31] =	ssyncadd.s32 $0xFFFFFFB0  }
0xac: {  	_ =	swait.ge [sflag:s31], $0x500  }
0xad: {  	[sflag:s31] =	ssyncset.done $0x0  }
0xae: {  	[sflag:s31] =	ssyncadd.s32 $0xFFFFFB00  }
0xaf: {  	[spmem:s2] =	stream.indirect.scatter.add.f32 [tilespmem:s25], [sflag:$0x5], $0x10, s24, s28, $0xb8;
	[tilespmem:$0x3770] =	vst v63  }
0xb0: {  	_ =	swait.ge [sflag:s0], $0x500  }
0xb1: {  	[sflag:s0] =	ssyncset.done $0x0  }
0xb2: {  	[sflag:s0] =	ssyncadd.s32 $0xFFFFFB00  }
0xb3: {  	_ =	swait.ge [sflag:s4], $0x500  }
0xb4: {  	[sflag:s4] =	ssyncset.done $0x0  }
0xb5: {  	[sflag:s4] =	ssyncadd.s32 $0xFFFFFB00  }
0xb6: {  	_ =	swait.ge [sflag:s8], $0x500  }
0xb7: {  	s9 =	sadd.s32 $0x1, s9;
	[sflag:s8] =	ssyncset.done $0x0  }
0xb8: {  	p0 =	sne.s32 s9, s17;
	[sflag:s8] =	ssyncadd.s32 $0xFFFFFB00  }
.Ltmp1:
0xb9: {  	[bflag:$0x0] =	sbarrier.arrive $0xFFFF;
	(pc) =	sbr.rel @p0 .LBB2_1-.Ltmp1, $4  }
0xba: {  	[hbm:s16], [sflag:s5] =	dma.local [spmem:s20], $0x4F0  }
0xbb: {  	_ =	swait.ge [sflag:s21], $0x4F0  }
0xbc: {  	[sflag:s21] =	ssyncset.done $0x0  }
0xbd: {  	[sflag:s21] =	ssyncadd.s32 $0xFFFFFB10  }
0xbe: {  	_ =	sfence.sel $0x180000  }
0xbf: {  	[bflag:$0x0] =	sbarrier.arrive $0xFFFF  }
0xc0: {  	_ =	strace $0x90000047  }
0xc1: {  	s0 =	stileid.u32;
	[bflag:$0x2] =	sbarrier.arrive $0xFFFF  }
0xc2: {  	p0 =	sne.s32 s0, $0x0;
	s0 =	rddreg [dreg:$0x2]  }
0xc3: {  	s0 =	sadd.s32 @!p0 $0x100000, s0  }
0xc4: {  	[sflag:s0] =	ssyncadd.tile.s32 @!p0 $0x1;
	_ =	shalt  }
.Lfunc_end2:
_tile_overlayer_lowered:
.L_overlay_start_2:
0xc5: {  	(tag) =	ssettag $0x2  }
0xc6: {  	s0 =	rddreg [dreg:$0x0];
	s2 =	stileid.u32  }
0xc7: {  	s1 =	rddreg [dreg:$0x1];
	p0 =	sne.s32 s2, $0x0  }
0xc8: {  	s3 =	rddreg [dreg:$0x2];
	[bflag:$0x3] =	sbarrier.arrive $0xFFFF;
	s2 =	simm.s32 @!p0 $0x1C07  }
0xc9: {  	[timem:s3], [sflag:s2] =	dma.local @!p0 [hbm:s0], s1  }
0xca: {  	s0 =	simm.s32 @!p0 $0x7  }
0xcb: {  	_ =	swait.ge @!p0 [sflag:s0], s1  }
0xcc: {  	s1 =	ssub.s32 @!p0 $0x0, s1;
	[sflag:s0] =	ssyncset.done @!p0 $0x0  }
0xcd: {  	[sflag:s0] =	ssyncadd.s32 @!p0 s1  }
0xce: {  	[bflag:$0x3] =	sbarrier.arrive $0xFFFF  }
0xcf: {  	_ =	shalt  }

</sc_bundles>
